<compile_context>
chip_gen: v7x
topology: tpu7x:2x2x1
jax: 0.10.2.dev20260603
libtpu: 0.0.44.dev20260713+nightly
codegen_flags: <defaults>
</compile_context>

<pallas_src>
import functools

import jax
import jax.numpy as jnp
from jax import lax
from jax.experimental import pallas as pl
from jax.experimental.pallas import tpu as pltpu
from jax.experimental.pallas import tpu_sc as plsc



def _argmax_body(w_ref, out_ref, val_ref, arg_ref, *, row_block, nrow):
    r = pl.program_id(1)

    @pl.when(r == 0)
    def _init():
        val_ref[...] = jnp.full_like(val_ref[...], -jnp.inf)
        arg_ref[...] = jnp.zeros_like(arg_ref[...])

    vals = w_ref[...]
    bmax = jnp.max(vals, axis=0)
    barg = jnp.argmax(vals, axis=0).astype(jnp.int32)
    upd = bmax > val_ref[...]
    arg_ref[...] = jnp.where(upd, r * row_block + barg, arg_ref[...])
    val_ref[...] = jnp.where(upd, bmax, val_ref[...])

    @pl.when(r == nrow - 1)
    def _emit():
        a = arg_ref[...]
        lut, cb = a.shape
        a = a.reshape(lut, cb // 128, 128)
        a = jnp.swapaxes(a, 0, 1)
        out_ref[...] = a.reshape(1, lut * cb)


def _argmax_cols(weights):
    n, lut, m = weights.shape
    row_block, col_block = 1024, 1024
    nrow = n // row_block
    grid = (m // col_block, nrow)
    return pl.pallas_call(
        functools.partial(_argmax_body, row_block=row_block, nrow=nrow),
        grid=grid,
        in_specs=[pl.BlockSpec((row_block, lut, col_block),
                               lambda c, r: (r, 0, c))],
        out_specs=pl.BlockSpec((1, lut * col_block), lambda c, r: (0, c)),
        out_shape=jax.ShapeDtypeStruct((1, lut * m), jnp.int32),
        scratch_shapes=[pltpu.VMEM((lut, col_block), jnp.float32),
                        pltpu.VMEM((lut, col_block), jnp.int32)],
    )(weights)



def _make_sc_gather(b, in_dim, lut, out_dim, nw):
    lo = lut * out_dim
    ko = 4
    rows_per_w = b // nw
    nslab_w = rows_per_w // ko
    tpr = in_dim // 128
    opr = out_dim // 128
    nchunk = lo // 16
    mesh = plsc.VectorSubcoreMesh(core_axis_name="c", subcore_axis_name="s")

    @functools.partial(
        pl.kernel,
        mesh=mesh,
        compiler_params=pltpu.CompilerParams(needs_layout_passes=False),
        out_type=jax.ShapeDtypeStruct((b, opr, lut, 128), jnp.float32),
        scratch_types=[
            pltpu.VMEM((lo,), jnp.int32),
            pltpu.VMEM((tpr, ko, 128), jnp.float32),
            pltpu.VMEM((tpr, ko, 128), jnp.float32),
            pltpu.VMEM((ko, opr, lut, 128), jnp.float32),
            pltpu.VMEM((ko, opr, lut, 128), jnp.float32),
            pltpu.SemaphoreType.DMA,
            pltpu.SemaphoreType.DMA,
        ],
    )
    def gather_kernel(x_hbm, idx_hbm, out_hbm, idx_v, xin0, xin1, ob0, ob1,
                      insem, outsem):
        wid = lax.axis_index("s") * 2 + lax.axis_index("c")
        grp0 = wid * (rows_per_w // 8)
        xins = (xin0, xin1)
        obs = (ob0, ob1)

        def in_copy(slab, s):
            return pltpu.make_async_copy(
                x_hbm.at[grp0 + slab // 2, :, pl.ds((slab % 2) * ko, ko)],
                xins[s], insem)

        def out_copy(row_base, s):
            return pltpu.make_async_copy(
                obs[s], out_hbm.at[pl.ds(row_base, ko)], outsem)

        pltpu.sync_copy(idx_hbm, idx_v)
        in_copy(0, 0).start()

        rvecs = [jnp.full((16,), rb, jnp.int32) for rb in range(ko)]

        def do_slab(slab, s):
            in_copy(slab, s).wait()

            @pl.when(slab + 1 < nslab_w)
            def _():
                in_copy(slab + 1, 1 - s).start()

            @pl.when(slab >= 2)
            def _():
                pltpu.make_async_copy(
                    obs[s], out_hbm.at[pl.ds(0, ko)], outsem).wait()

            @plsc.parallel_loop(0, nchunk, unroll=8)
            def _gather_loop(pc):
                ob = pc // 16
                l = (pc // 8) % 2
                lane0 = (pc % 8) * 16
                iv = idx_v[pl.ds(pc * 16, 16)]
                t16 = iv >> 7
                n16 = iv & 127
                for rb in range(ko):
                    v = plsc.load_gather(xins[s], [t16, rvecs[rb], n16])
                    obs[s][rb, ob, l, pl.ds(lane0, 16)] = v

            out_copy(wid * rows_per_w + slab * ko, s).start()

        def body2(i, _):
            do_slab(i * 2, 0)
            do_slab(i * 2 + 1, 1)
            return 0

        lax.fori_loop(0, nslab_w // 2, body2, 0)
        pltpu.make_async_copy(obs[0], out_hbm.at[pl.ds(0, ko)], outsem).wait()
        pltpu.make_async_copy(obs[1], out_hbm.at[pl.ds(0, ko)], outsem).wait()

    return gather_kernel



def kernel(x, weights, indices):
    b, in_dim = x.shape
    _, lut_rank, out_dim = weights.shape

    conn = _argmax_cols(weights).reshape(lut_rank * out_dim)

    x4 = x.reshape(b // 8, 8, in_dim // 128, 128).transpose(0, 2, 1, 3)
    gather = _make_sc_gather(b, in_dim, lut_rank, out_dim, nw=32)
    out4 = gather(x4, conn)
    return out4.transpose(0, 2, 1, 3).reshape(b, lut_rank, out_dim)

# --- scband reference (transcript-rebuilt; emitter-appended) ---
"""Pipeline reference for scband-learnable-dense-connections-4887672783218 (READ-ONLY COPY).

The authoritative reference and input builder live on the scoring server;
editing this copy changes nothing except your own understanding.
"""

import jax, jax.numpy as jnp
import numpy as np

B = 4096
IN_DIM = 4096
OUT_DIM = 4096
LUT_RANK = 2

def setup_inputs(seed: int = 0) -> dict:
    key = jax.random.key(seed)
    k1, k2 = jax.random.split(key)
    x = jax.random.normal(k1, (B, IN_DIM), dtype=jnp.float32)
    # learned parameter: weights ~ U[0,1), shape (num_candidates=in_dim, lut_rank, out_dim)
    weights = jax.random.uniform(k2, (IN_DIM, LUT_RANK, OUT_DIM), dtype=jnp.float32)
    # num_candidates == -1 buffer: indices[i, l, o] = i
    indices = jnp.broadcast_to(jnp.arange(IN_DIM, dtype=jnp.int32)[:, None, None], (IN_DIM, LUT_RANK, OUT_DIM))
    return {"x": x, "weights": weights, "indices": indices}

def reference(x, weights, indices):
    # gumbel=False -> g = zeros
    g = jnp.zeros_like(weights)
    connections = jnp.argmax(weights + g, axis=0)  # (lut_rank, out_dim)
    l = jnp.arange(weights.shape[1])[:, None]
    o = jnp.arange(weights.shape[2])[None, :]
    idx = indices[connections, l, o]  # (lut_rank, out_dim)
    output = x[:, idx]  # (B, lut_rank, out_dim)
    return output

if __name__ == "__main__":
    import jax
    _d = setup_inputs()
    print(jax.jit(kernel)(*tuple(_d.values())))

</pallas_src>

<mosaic_0001>
#map = affine_map<(d0, d1) -> (0, 0, 0, 0)>
#map1 = affine_map<(d0, d1) -> (0)>
module attributes {stable_mosaic.version = 14 : i64} {
  func.func @gather_kernel(%arg0: i32, %arg1: i32, %arg2: memref<512x32x8x128xf32, #tpu.memory_space<hbm>>, %arg3: memref<8192xi32, #tpu.memory_space<hbm>>, %arg4: memref<4096x32x2x128xf32, #tpu.memory_space<hbm>>, %arg5: memref<8192xi32, #tpu.memory_space<vmem>>, %arg6: memref<32x4x128xf32, #tpu.memory_space<vmem>>, %arg7: memref<32x4x128xf32, #tpu.memory_space<vmem>>, %arg8: memref<4x32x2x128xf32, #tpu.memory_space<vmem>>, %arg9: memref<4x32x2x128xf32, #tpu.memory_space<vmem>>, %arg10: memref<!tpu.dma_semaphore, #tpu.memory_space<semaphore_mem>>, %arg11: memref<!tpu.dma_semaphore, #tpu.memory_space<semaphore_mem>>) attributes {dimension_semantics = [#tpu.dimension_semantics<core_parallel>, #tpu.dimension_semantics<subcore_parallel>], iteration_bounds = array<i64: 2, 16>, scalar_prefetch = 0 : i64, scratch_operands = 7 : i64, tpu.core_type = #tpu.core_type<sc_vector_subcore>, window_params = [{transform_indices = #map}, {transform_indices = #map1}, {transform_indices = #map}]} {
    %mul3A = arith.constant 2 : i32
    %mul3A_0 = arith.muli %arg1, %mul3A : i32
    %add3A = arith.addi %mul3A_0, %arg0 : i32
    %mul3A_1 = arith.constant 16 : i32
    %mul3A_2 = arith.muli %add3A, %mul3A_1 : i32
    "tpu.region"() ({
      %run_scoped3A = tpu.sem_alloc : memref<!tpu.dma_semaphore, #tpu.memory_space<semaphore_mem>>
      tpu.enqueue_dma source(%arg3 : memref<8192xi32, #tpu.memory_space<hbm>>) target(%arg5 : memref<8192xi32, #tpu.memory_space<vmem>>) target_semaphore(%run_scoped3A : memref<!tpu.dma_semaphore, #tpu.memory_space<semaphore_mem>>)
      tpu.wait_dma2 semaphore(%run_scoped3A : memref<!tpu.dma_semaphore, #tpu.memory_space<semaphore_mem>>) src(%arg3 : memref<8192xi32, #tpu.memory_space<hbm>>) dst(%arg5 : memref<8192xi32, #tpu.memory_space<vmem>>)
      tpu.yield
    }) : () -> ()
    %add3A_3 = arith.constant 0 : i32
    %add3A_4 = arith.addi %mul3A_2, %add3A_3 : i32
    %dma_start3A = arith.constant 0 : i32
    %dma_start3A_5 = arith.constant 0 : i32
    %dma_start3A_6 = arith.constant 0 : i32
    %dma_start3A_7 = tpu.memref_slice %arg2[%add3A_4, %dma_start3A, %dma_start3A_5, %dma_start3A_6] : memref<512x32x8x128xf32, #tpu.memory_space<hbm>> -> memref<1x32x4x128xf32, #tpu.memory_space<hbm>>
    %dma_start3A_8 = tpu.memref_squeeze %dma_start3A_7 : memref<1x32x4x128xf32, #tpu.memory_space<hbm>> -> memref<32x4x128xf32, #tpu.memory_space<hbm>>
    %dma_start3A_9 = arith.constant 0 : i32
    %dma_start3A_10 = arith.constant 0 : i32
    %dma_start3A_11 = arith.constant 0 : i32
    %dma_start3A_12 = tpu.memref_slice %arg2[%add3A_4, %dma_start3A_9, %dma_start3A_10, %dma_start3A_11] : memref<512x32x8x128xf32, #tpu.memory_space<hbm>> -> memref<1x32x4x128xf32, #tpu.memory_space<hbm>>
    %dma_start3A_13 = tpu.memref_squeeze %dma_start3A_12 : memref<1x32x4x128xf32, #tpu.memory_space<hbm>> -> memref<32x4x128xf32, #tpu.memory_space<hbm>>
    tpu.enqueue_dma source(%dma_start3A_13 : memref<32x4x128xf32, #tpu.memory_space<hbm>>) target(%arg6 : memref<32x4x128xf32, #tpu.memory_space<vmem>>) target_semaphore(%arg10 : memref<!tpu.dma_semaphore, #tpu.memory_space<semaphore_mem>>)
    %broadcast_in_dim3A = arith.constant 0 : i32
    %broadcast_in_dim3A_14 = vector.broadcast %broadcast_in_dim3A : i32 to vector<16xi32>
    %broadcast_in_dim3A_15 = arith.constant 1 : i32
    %broadcast_in_dim3A_16 = vector.broadcast %broadcast_in_dim3A_15 : i32 to vector<16xi32>
    %broadcast_in_dim3A_17 = arith.constant 2 : i32
    %broadcast_in_dim3A_18 = vector.broadcast %broadcast_in_dim3A_17 : i32 to vector<16xi32>
    %broadcast_in_dim3A_19 = arith.constant 3 : i32
    %broadcast_in_dim3A_20 = vector.broadcast %broadcast_in_dim3A_19 : i32 to vector<16xi32>
    %scan3A = arith.constant 0 : i32
    %scan3A_21 = arith.constant 0 : i32
    %scan3A_22 = arith.constant 16 : i32
    %scan3A_23 = arith.addi %scan3A_21, %scan3A_22 : i32
    %scan3A_24 = arith.constant 1 : i32
    %scan3A_25 = scf.for %scan3A_46 = %scan3A_21 to %scan3A_23 step %scan3A_24 iter_args(%scan3A_47 = %scan3A) -> (i32)  : i32 {
      %mul3A_48 = arith.constant 2 : i32
      %mul3A_49 = arith.muli %scan3A_46, %mul3A_48 : i32
      %jit3A = arith.constant 2 : i32
      %div3A = arith.divsi %mul3A_49, %jit3A : i32
      %sign3A = arith.constant 0 : i32
      %sign3A_50 = arith.cmpi sgt, %mul3A_49, %sign3A : i32
      %sign3A_51 = arith.extui %sign3A_50 : i1 to i32
      %sign3A_52 = arith.constant 0 : i32
      %sign3A_53 = arith.cmpi slt, %mul3A_49, %sign3A_52 : i32
      %sign3A_54 = arith.extui %sign3A_53 : i1 to i32
      %sign3A_55 = arith.subi %sign3A_51, %sign3A_54 : i32
      %sign3A_56 = arith.constant 0 : i32
      %sign3A_57 = arith.cmpi sgt, %jit3A, %sign3A_56 : i32
      %sign3A_58 = arith.extui %sign3A_57 : i1 to i32
      %sign3A_59 = arith.constant 0 : i32
      %sign3A_60 = arith.cmpi slt, %jit3A, %sign3A_59 : i32
      %sign3A_61 = arith.extui %sign3A_60 : i1 to i32
      %sign3A_62 = arith.subi %sign3A_58, %sign3A_61 : i32
      %ne3A = arith.cmpi ne, %sign3A_55, %sign3A_62 : i32
      %rem3A = arith.remsi %mul3A_49, %jit3A : i32
      %ne3A_63 = arith.constant 0 : i32
      %ne3A_64 = arith.cmpi ne, %rem3A, %ne3A_63 : i32
      %and3A = arith.andi %ne3A, %ne3A_64 : i1
      %sub3A = arith.constant 1 : i32
      %sub3A_65 = arith.subi %div3A, %sub3A : i32
      %select_n3A = arith.select %and3A, %sub3A_65, %div3A : i32
      %add3A_66 = arith.addi %mul3A_2, %select_n3A : i32
      %jit3A_67 = arith.constant 2 : i32
      %eq3A = arith.constant 0 : i32
      %eq3A_68 = arith.cmpi eq, %jit3A_67, %eq3A : i32
      %jit3A_69 = arith.constant 1 : i32
      %select_n3A_70 = arith.select %eq3A_68, %jit3A_69, %jit3A_67 : i32
      %rem3A_71 = arith.remsi %mul3A_49, %select_n3A_70 : i32
      %ne3A_72 = arith.constant 0 : i32
      %ne3A_73 = arith.cmpi ne, %rem3A_71, %ne3A_72 : i32
      %lt3A = arith.constant 0 : i32
      %lt3A_74 = arith.cmpi slt, %rem3A_71, %lt3A : i32
      %lt3A_75 = arith.constant 0 : i32
      %lt3A_76 = arith.cmpi slt, %select_n3A_70, %lt3A_75 : i32
      %ne3A_77 = arith.xori %lt3A_74, %lt3A_76 : i1
      %and3A_78 = arith.andi %ne3A_77, %ne3A_73 : i1
      %add3A_79 = arith.addi %rem3A_71, %select_n3A_70 : i32
      %select_n3A_80 = arith.select %and3A_78, %add3A_79, %rem3A_71 : i32
      %mul3A_81 = arith.constant 4 : i32
      %mul3A_82 = arith.muli %select_n3A_80, %mul3A_81 : i32
      %dma_wait3A_83 = arith.constant 0 : i32
      %dma_wait3A_84 = arith.constant 0 : i32
      %dma_wait3A_85 = tpu.memref_slice %arg2[%add3A_66, %dma_wait3A_83, %mul3A_82, %dma_wait3A_84] : memref<512x32x8x128xf32, #tpu.memory_space<hbm>> -> memref<1x32x4x128xf32, #tpu.memory_space<hbm>>
      %dma_wait3A_86 = tpu.memref_squeeze %dma_wait3A_85 : memref<1x32x4x128xf32, #tpu.memory_space<hbm>> -> memref<32x4x128xf32, #tpu.memory_space<hbm>>
      %dma_wait3A_87 = arith.constant 0 : i32
      %dma_wait3A_88 = arith.constant 0 : i32
      %dma_wait3A_89 = tpu.memref_slice %arg2[%add3A_66, %dma_wait3A_87, %mul3A_82, %dma_wait3A_88] : memref<512x32x8x128xf32, #tpu.memory_space<hbm>> -> memref<1x32x4x128xf32, #tpu.memory_space<hbm>>
      %dma_wait3A_90 = tpu.memref_squeeze %dma_wait3A_89 : memref<1x32x4x128xf32, #tpu.memory_space<hbm>> -> memref<32x4x128xf32, #tpu.memory_space<hbm>>
      tpu.wait_dma2 semaphore(%arg10 : memref<!tpu.dma_semaphore, #tpu.memory_space<semaphore_mem>>) src(%dma_wait3A_90 : memref<32x4x128xf32, #tpu.memory_space<hbm>>) dst(%arg6 : memref<32x4x128xf32, #tpu.memory_space<vmem>>)
      %add3A_91 = arith.constant 1 : i32
      %add3A_92 = arith.addi %mul3A_49, %add3A_91 : i32
      %lt3A_93 = arith.constant 32 : i32
      %lt3A_94 = arith.cmpi slt, %add3A_92, %lt3A_93 : i32
      %convert_element_type3A = arith.extui %lt3A_94 : i1 to i32
      %cond3A = arith.constant 0 : i32
      %cond3A_95 = arith.cmpi ne, %convert_element_type3A, %cond3A : i32
      scf.if %cond3A_95 {
        %add3A_199 = arith.constant 1 : i32
        %add3A_200 = arith.addi %mul3A_49, %add3A_199 : i32
        %jit3A_201 = arith.constant 2 : i32
        %div3A_202 = arith.divsi %add3A_200, %jit3A_201 : i32
        %sign3A_203 = arith.constant 0 : i32
        %sign3A_204 = arith.cmpi sgt, %add3A_200, %sign3A_203 : i32
        %sign3A_205 = arith.extui %sign3A_204 : i1 to i32
        %sign3A_206 = arith.constant 0 : i32
        %sign3A_207 = arith.cmpi slt, %add3A_200, %sign3A_206 : i32
        %sign3A_208 = arith.extui %sign3A_207 : i1 to i32
        %sign3A_209 = arith.subi %sign3A_205, %sign3A_208 : i32
        %sign3A_210 = arith.constant 0 : i32
        %sign3A_211 = arith.cmpi sgt, %jit3A_201, %sign3A_210 : i32
        %sign3A_212 = arith.extui %sign3A_211 : i1 to i32
        %sign3A_213 = arith.constant 0 : i32
        %sign3A_214 = arith.cmpi slt, %jit3A_201, %sign3A_213 : i32
        %sign3A_215 = arith.extui %sign3A_214 : i1 to i32
        %sign3A_216 = arith.subi %sign3A_212, %sign3A_215 : i32
        %ne3A_217 = arith.cmpi ne, %sign3A_209, %sign3A_216 : i32
        %rem3A_218 = arith.remsi %add3A_200, %jit3A_201 : i32
        %ne3A_219 = arith.constant 0 : i32
        %ne3A_220 = arith.cmpi ne, %rem3A_218, %ne3A_219 : i32
        %and3A_221 = arith.andi %ne3A_217, %ne3A_220 : i1
        %sub3A_222 = arith.constant 1 : i32
        %sub3A_223 = arith.subi %div3A_202, %sub3A_222 : i32
        %select_n3A_224 = arith.select %and3A_221, %sub3A_223, %div3A_202 : i32
        %add3A_225 = arith.addi %mul3A_2, %select_n3A_224 : i32
        %jit3A_226 = arith.constant 2 : i32
        %eq3A_227 = arith.constant 0 : i32
        %eq3A_228 = arith.cmpi eq, %jit3A_226, %eq3A_227 : i32
        %jit3A_229 = arith.constant 1 : i32
        %select_n3A_230 = arith.select %eq3A_228, %jit3A_229, %jit3A_226 : i32
        %rem3A_231 = arith.remsi %add3A_200, %select_n3A_230 : i32
        %ne3A_232 = arith.constant 0 : i32
        %ne3A_233 = arith.cmpi ne, %rem3A_231, %ne3A_232 : i32
        %lt3A_234 = arith.constant 0 : i32
        %lt3A_235 = arith.cmpi slt, %rem3A_231, %lt3A_234 : i32
        %lt3A_236 = arith.constant 0 : i32
        %lt3A_237 = arith.cmpi slt, %select_n3A_230, %lt3A_236 : i32
        %ne3A_238 = arith.xori %lt3A_235, %lt3A_237 : i1
        %and3A_239 = arith.andi %ne3A_238, %ne3A_233 : i1
        %add3A_240 = arith.addi %rem3A_231, %select_n3A_230 : i32
        %select_n3A_241 = arith.select %and3A_239, %add3A_240, %rem3A_231 : i32
        %mul3A_242 = arith.constant 4 : i32
        %mul3A_243 = arith.muli %select_n3A_241, %mul3A_242 : i32
        %dma_start3A_244 = arith.constant 0 : i32
        %dma_start3A_245 = arith.constant 0 : i32
        %dma_start3A_246 = tpu.memref_slice %arg2[%add3A_225, %dma_start3A_244, %mul3A_243, %dma_start3A_245] : memref<512x32x8x128xf32, #tpu.memory_space<hbm>> -> memref<1x32x4x128xf32, #tpu.memory_space<hbm>>
        %dma_start3A_247 = tpu.memref_squeeze %dma_start3A_246 : memref<1x32x4x128xf32, #tpu.memory_space<hbm>> -> memref<32x4x128xf32, #tpu.memory_space<hbm>>
        %dma_start3A_248 = arith.constant 0 : i32
        %dma_start3A_249 = arith.constant 0 : i32
        %dma_start3A_250 = tpu.memref_slice %arg2[%add3A_225, %dma_start3A_248, %mul3A_243, %dma_start3A_249] : memref<512x32x8x128xf32, #tpu.memory_space<hbm>> -> memref<1x32x4x128xf32, #tpu.memory_space<hbm>>
        %dma_start3A_251 = tpu.memref_squeeze %dma_start3A_250 : memref<1x32x4x128xf32, #tpu.memory_space<hbm>> -> memref<32x4x128xf32, #tpu.memory_space<hbm>>
        tpu.enqueue_dma source(%dma_start3A_251 : memref<32x4x128xf32, #tpu.memory_space<hbm>>) target(%arg7 : memref<32x4x128xf32, #tpu.memory_space<vmem>>) target_semaphore(%arg10 : memref<!tpu.dma_semaphore, #tpu.memory_space<semaphore_mem>>)
      } else {
      }
      %ge3A = arith.constant 2 : i32
      %ge3A_96 = arith.cmpi sge, %mul3A_49, %ge3A : i32
      %convert_element_type3A_97 = arith.extui %ge3A_96 : i1 to i32
      %cond3A_98 = arith.constant 0 : i32
      %cond3A_99 = arith.cmpi ne, %convert_element_type3A_97, %cond3A_98 : i32
      scf.if %cond3A_99 {
        %dma_wait3A_199 = arith.constant 0 : i32
        %dma_wait3A_200 = arith.constant 0 : i32
        %dma_wait3A_201 = arith.constant 0 : i32
        %dma_wait3A_202 = arith.constant 0 : i32
        %dma_wait3A_203 = tpu.memref_slice %arg4[%dma_wait3A_199, %dma_wait3A_200, %dma_wait3A_201, %dma_wait3A_202] : memref<4096x32x2x128xf32, #tpu.memory_space<hbm>> -> memref<4x32x2x128xf32, #tpu.memory_space<hbm>>
        %dma_wait3A_204 = arith.constant 0 : i32
        %dma_wait3A_205 = arith.constant 0 : i32
        %dma_wait3A_206 = arith.constant 0 : i32
        %dma_wait3A_207 = arith.constant 0 : i32
        %dma_wait3A_208 = tpu.memref_slice %arg4[%dma_wait3A_204, %dma_wait3A_205, %dma_wait3A_206, %dma_wait3A_207] : memref<4096x32x2x128xf32, #tpu.memory_space<hbm>> -> memref<4x32x2x128xf32, #tpu.memory_space<hbm>>
        tpu.wait_dma2 semaphore(%arg11 : memref<!tpu.dma_semaphore, #tpu.memory_space<semaphore_mem>>) src(%arg8 : memref<4x32x2x128xf32, #tpu.memory_space<vmem>>) dst(%dma_wait3A_208 : memref<4x32x2x128xf32, #tpu.memory_space<hbm>>)
      } else {
      }
      %parallel_loop3A = arith.constant 0 : i32
      %parallel_loop3A_100 = arith.constant 512 : i32
      %parallel_loop3A_101 = arith.constant 1 : i32
      scf.for %parallel_loop3A_199 = %parallel_loop3A to %parallel_loop3A_100 step %parallel_loop3A_101  : i32 {
        %parallel_loop3A_200 = arith.constant 16 : i32
        %parallel_loop3A_201 = arith.divsi %parallel_loop3A_199, %parallel_loop3A_200 : i32
        %parallel_loop3A_202 = arith.constant 0 : i32
        %parallel_loop3A_203 = arith.cmpi sgt, %parallel_loop3A_199, %parallel_loop3A_202 : i32
        %parallel_loop3A_204 = arith.extui %parallel_loop3A_203 : i1 to i32
        %parallel_loop3A_205 = arith.constant 0 : i32
        %parallel_loop3A_206 = arith.cmpi slt, %parallel_loop3A_199, %parallel_loop3A_205 : i32
        %parallel_loop3A_207 = arith.extui %parallel_loop3A_206 : i1 to i32
        %parallel_loop3A_208 = arith.subi %parallel_loop3A_204, %parallel_loop3A_207 : i32
        %parallel_loop3A_209 = arith.constant 0 : i32
        %parallel_loop3A_210 = arith.cmpi sgt, %parallel_loop3A_200, %parallel_loop3A_209 : i32
        %parallel_loop3A_211 = arith.extui %parallel_loop3A_210 : i1 to i32
        %parallel_loop3A_212 = arith.constant 0 : i32
        %parallel_loop3A_213 = arith.cmpi slt, %parallel_loop3A_200, %parallel_loop3A_212 : i32
        %parallel_loop3A_214 = arith.extui %parallel_loop3A_213 : i1 to i32
        %parallel_loop3A_215 = arith.subi %parallel_loop3A_211, %parallel_loop3A_214 : i32
        %parallel_loop3A_216 = arith.cmpi ne, %parallel_loop3A_208, %parallel_loop3A_215 : i32
        %parallel_loop3A_217 = arith.remsi %parallel_loop3A_199, %parallel_loop3A_200 : i32
        %parallel_loop3A_218 = arith.constant 0 : i32
        %parallel_loop3A_219 = arith.cmpi ne, %parallel_loop3A_217, %parallel_loop3A_218 : i32
        %parallel_loop3A_220 = arith.andi %parallel_loop3A_216, %parallel_loop3A_219 : i1
        %parallel_loop3A_221 = arith.constant 1 : i32
        %parallel_loop3A_222 = arith.subi %parallel_loop3A_201, %parallel_loop3A_221 : i32
        %parallel_loop3A_223 = arith.select %parallel_loop3A_220, %parallel_loop3A_222, %parallel_loop3A_201 : i32
        %parallel_loop3A_224 = arith.constant 8 : i32
        %parallel_loop3A_225 = arith.divsi %parallel_loop3A_199, %parallel_loop3A_224 : i32
        %parallel_loop3A_226 = arith.constant 0 : i32
        %parallel_loop3A_227 = arith.cmpi sgt, %parallel_loop3A_199, %parallel_loop3A_226 : i32
        %parallel_loop3A_228 = arith.extui %parallel_loop3A_227 : i1 to i32
        %parallel_loop3A_229 = arith.constant 0 : i32
        %parallel_loop3A_230 = arith.cmpi slt, %parallel_loop3A_199, %parallel_loop3A_229 : i32
        %parallel_loop3A_231 = arith.extui %parallel_loop3A_230 : i1 to i32
        %parallel_loop3A_232 = arith.subi %parallel_loop3A_228, %parallel_loop3A_231 : i32
        %parallel_loop3A_233 = arith.constant 0 : i32
        %parallel_loop3A_234 = arith.cmpi sgt, %parallel_loop3A_224, %parallel_loop3A_233 : i32
        %parallel_loop3A_235 = arith.extui %parallel_loop3A_234 : i1 to i32
        %parallel_loop3A_236 = arith.constant 0 : i32
        %parallel_loop3A_237 = arith.cmpi slt, %parallel_loop3A_224, %parallel_loop3A_236 : i32
        %parallel_loop3A_238 = arith.extui %parallel_loop3A_237 : i1 to i32
        %parallel_loop3A_239 = arith.subi %parallel_loop3A_235, %parallel_loop3A_238 : i32
        %parallel_loop3A_240 = arith.cmpi ne, %parallel_loop3A_232, %parallel_loop3A_239 : i32
        %parallel_loop3A_241 = arith.remsi %parallel_loop3A_199, %parallel_loop3A_224 : i32
        %parallel_loop3A_242 = arith.constant 0 : i32
        %parallel_loop3A_243 = arith.cmpi ne, %parallel_loop3A_241, %parallel_loop3A_242 : i32
        %parallel_loop3A_244 = arith.andi %parallel_loop3A_240, %parallel_loop3A_243 : i1
        %parallel_loop3A_245 = arith.constant 1 : i32
        %parallel_loop3A_246 = arith.subi %parallel_loop3A_225, %parallel_loop3A_245 : i32
        %parallel_loop3A_247 = arith.select %parallel_loop3A_244, %parallel_loop3A_246, %parallel_loop3A_225 : i32
        %parallel_loop3A_248 = arith.constant 2 : i32
        %parallel_loop3A_249 = arith.constant 0 : i32
        %parallel_loop3A_250 = arith.cmpi eq, %parallel_loop3A_248, %parallel_loop3A_249 : i32
        %parallel_loop3A_251 = arith.constant 1 : i32
        %parallel_loop3A_252 = arith.select %parallel_loop3A_250, %parallel_loop3A_251, %parallel_loop3A_248 : i32
        %parallel_loop3A_253 = arith.remsi %parallel_loop3A_247, %parallel_loop3A_252 : i32
        %parallel_loop3A_254 = arith.constant 0 : i32
        %parallel_loop3A_255 = arith.cmpi ne, %parallel_loop3A_253, %parallel_loop3A_254 : i32
        %parallel_loop3A_256 = arith.constant 0 : i32
        %parallel_loop3A_257 = arith.cmpi slt, %parallel_loop3A_253, %parallel_loop3A_256 : i32
        %parallel_loop3A_258 = arith.constant 0 : i32
        %parallel_loop3A_259 = arith.cmpi slt, %parallel_loop3A_252, %parallel_loop3A_258 : i32
        %parallel_loop3A_260 = arith.xori %parallel_loop3A_257, %parallel_loop3A_259 : i1
        %parallel_loop3A_261 = arith.andi %parallel_loop3A_260, %parallel_loop3A_255 : i1
        %parallel_loop3A_262 = arith.addi %parallel_loop3A_253, %parallel_loop3A_252 : i32
        %parallel_loop3A_263 = arith.select %parallel_loop3A_261, %parallel_loop3A_262, %parallel_loop3A_253 : i32
        %parallel_loop3A_264 = arith.constant 8 : i32
        %parallel_loop3A_265 = arith.constant 0 : i32
        %parallel_loop3A_266 = arith.cmpi eq, %parallel_loop3A_264, %parallel_loop3A_265 : i32
        %parallel_loop3A_267 = arith.constant 1 : i32
        %parallel_loop3A_268 = arith.select %parallel_loop3A_266, %parallel_loop3A_267, %parallel_loop3A_264 : i32
        %parallel_loop3A_269 = arith.remsi %parallel_loop3A_199, %parallel_loop3A_268 : i32
        %parallel_loop3A_270 = arith.constant 0 : i32
        %parallel_loop3A_271 = arith.cmpi ne, %parallel_loop3A_269, %parallel_loop3A_270 : i32
        %parallel_loop3A_272 = arith.constant 0 : i32
        %parallel_loop3A_273 = arith.cmpi slt, %parallel_loop3A_269, %parallel_loop3A_272 : i32
        %parallel_loop3A_274 = arith.constant 0 : i32
        %parallel_loop3A_275 = arith.cmpi slt, %parallel_loop3A_268, %parallel_loop3A_274 : i32
        %parallel_loop3A_276 = arith.xori %parallel_loop3A_273, %parallel_loop3A_275 : i1
        %parallel_loop3A_277 = arith.andi %parallel_loop3A_276, %parallel_loop3A_271 : i1
        %parallel_loop3A_278 = arith.addi %parallel_loop3A_269, %parallel_loop3A_268 : i32
        %parallel_loop3A_279 = arith.select %parallel_loop3A_277, %parallel_loop3A_278, %parallel_loop3A_269 : i32
        %parallel_loop3A_280 = arith.constant 16 : i32
        %parallel_loop3A_281 = arith.muli %parallel_loop3A_279, %parallel_loop3A_280 : i32
        %parallel_loop3A_282 = arith.constant 16 : i32
        %parallel_loop3A_283 = arith.muli %parallel_loop3A_199, %parallel_loop3A_282 : i32
        %parallel_loop3A_284 = arith.index_cast %parallel_loop3A_283 : i32 to index
        %parallel_loop3A_285 = tpu.vector_load %arg5[%parallel_loop3A_284] {strides = array<i32>} : memref<8192xi32, #tpu.memory_space<vmem>>, vector<16xi32>,
        %parallel_loop3A_286 = arith.constant 7 : i32
        %parallel_loop3A_287 = vector.broadcast %parallel_loop3A_286 : i32 to vector<16xi32>
        %parallel_loop3A_288 = arith.shrsi %parallel_loop3A_285, %parallel_loop3A_287 : vector<16xi32>
        %parallel_loop3A_289 = arith.constant 127 : i32
        %parallel_loop3A_290 = vector.broadcast %parallel_loop3A_289 : i32 to vector<16xi32>
        %parallel_loop3A_291 = arith.andi %parallel_loop3A_285, %parallel_loop3A_290 : vector<16xi32>
        %parallel_loop3A_292 = tpu.vector_load_idx %arg6[%parallel_loop3A_288, %broadcast_in_dim3A_14, %parallel_loop3A_291] : memref<32x4x128xf32, #tpu.memory_space<vmem>>[vector<16xi32>, vector<16xi32>, vector<16xi32>], vector<16xf32>,
        %parallel_loop3A_293 = arith.constant 0 : i32
        %parallel_loop3A_294 = arith.index_cast %parallel_loop3A_293 : i32 to index
        %parallel_loop3A_295 = arith.index_cast %parallel_loop3A_223 : i32 to index
        %parallel_loop3A_296 = arith.index_cast %parallel_loop3A_263 : i32 to index
        %parallel_loop3A_297 = arith.index_cast %parallel_loop3A_281 : i32 to index
        %parallel_loop3A_298 = tpu.vector_load %arg8[%parallel_loop3A_294, %parallel_loop3A_295, %parallel_loop3A_296, %parallel_loop3A_297] {strides = array<i32>} : memref<4x32x2x128xf32, #tpu.memory_space<vmem>>, vector<16xf32>,
        tpu.vector_store %arg8[%parallel_loop3A_294, %parallel_loop3A_295, %parallel_loop3A_296, %parallel_loop3A_297], %parallel_loop3A_292 {strides = array<i32>} : memref<4x32x2x128xf32, #tpu.memory_space<vmem>>, vector<16xf32>,
        %parallel_loop3A_299 = tpu.vector_load_idx %arg6[%parallel_loop3A_288, %broadcast_in_dim3A_16, %parallel_loop3A_291] : memref<32x4x128xf32, #tpu.memory_space<vmem>>[vector<16xi32>, vector<16xi32>, vector<16xi32>], vector<16xf32>,
        %parallel_loop3A_300 = arith.constant 1 : i32
        %parallel_loop3A_301 = arith.index_cast %parallel_loop3A_300 : i32 to index
        %parallel_loop3A_302 = arith.index_cast %parallel_loop3A_223 : i32 to index
        %parallel_loop3A_303 = arith.index_cast %parallel_loop3A_263 : i32 to index
        %parallel_loop3A_304 = arith.index_cast %parallel_loop3A_281 : i32 to index
        %parallel_loop3A_305 = tpu.vector_load %arg8[%parallel_loop3A_301, %parallel_loop3A_302, %parallel_loop3A_303, %parallel_loop3A_304] {strides = array<i32>} : memref<4x32x2x128xf32, #tpu.memory_space<vmem>>, vector<16xf32>,
        tpu.vector_store %arg8[%parallel_loop3A_301, %parallel_loop3A_302, %parallel_loop3A_303, %parallel_loop3A_304], %parallel_loop3A_299 {strides = array<i32>} : memref<4x32x2x128xf32, #tpu.memory_space<vmem>>, vector<16xf32>,
        %parallel_loop3A_306 = tpu.vector_load_idx %arg6[%parallel_loop3A_288, %broadcast_in_dim3A_18, %parallel_loop3A_291] : memref<32x4x128xf32, #tpu.memory_space<vmem>>[vector<16xi32>, vector<16xi32>, vector<16xi32>], vector<16xf32>,
        %parallel_loop3A_307 = arith.constant 2 : i32
        %parallel_loop3A_308 = arith.index_cast %parallel_loop3A_307 : i32 to index
        %parallel_loop3A_309 = arith.index_cast %parallel_loop3A_223 : i32 to index
        %parallel_loop3A_310 = arith.index_cast %parallel_loop3A_263 : i32 to index
        %parallel_loop3A_311 = arith.index_cast %parallel_loop3A_281 : i32 to index
        %parallel_loop3A_312 = tpu.vector_load %arg8[%parallel_loop3A_308, %parallel_loop3A_309, %parallel_loop3A_310, %parallel_loop3A_311] {strides = array<i32>} : memref<4x32x2x128xf32, #tpu.memory_space<vmem>>, vector<16xf32>,
        tpu.vector_store %arg8[%parallel_loop3A_308, %parallel_loop3A_309, %parallel_loop3A_310, %parallel_loop3A_311], %parallel_loop3A_306 {strides = array<i32>} : memref<4x32x2x128xf32, #tpu.memory_space<vmem>>, vector<16xf32>,
        %parallel_loop3A_313 = tpu.vector_load_idx %arg6[%parallel_loop3A_288, %broadcast_in_dim3A_20, %parallel_loop3A_291] : memref<32x4x128xf32, #tpu.memory_space<vmem>>[vector<16xi32>, vector<16xi32>, vector<16xi32>], vector<16xf32>,
        %parallel_loop3A_314 = arith.constant 3 : i32
        %parallel_loop3A_315 = arith.index_cast %parallel_loop3A_314 : i32 to index
        %parallel_loop3A_316 = arith.index_cast %parallel_loop3A_223 : i32 to index
        %parallel_loop3A_317 = arith.index_cast %parallel_loop3A_263 : i32 to index
        %parallel_loop3A_318 = arith.index_cast %parallel_loop3A_281 : i32 to index
        %parallel_loop3A_319 = tpu.vector_load %arg8[%parallel_loop3A_315, %parallel_loop3A_316, %parallel_loop3A_317, %parallel_loop3A_318] {strides = array<i32>} : memref<4x32x2x128xf32, #tpu.memory_space<vmem>>, vector<16xf32>,
        tpu.vector_store %arg8[%parallel_loop3A_315, %parallel_loop3A_316, %parallel_loop3A_317, %parallel_loop3A_318], %parallel_loop3A_313 {strides = array<i32>} : memref<4x32x2x128xf32, #tpu.memory_space<vmem>>, vector<16xf32>,
      } {sc.loop_unroll_factor = 8 : i64, sc.parallel_access}
      %mul3A_102 = arith.constant 128 : i32
      %mul3A_103 = arith.muli %add3A, %mul3A_102 : i32
      %mul3A_104 = arith.constant 4 : i32
      %mul3A_105 = arith.muli %mul3A_49, %mul3A_104 : i32
      %add3A_106 = arith.addi %mul3A_103, %mul3A_105 : i32
      %dma_start3A_107 = arith.constant 0 : i32
      %dma_start3A_108 = arith.constant 0 : i32
      %dma_start3A_109 = arith.constant 0 : i32
      %dma_start3A_110 = tpu.memref_slice %arg4[%add3A_106, %dma_start3A_107, %dma_start3A_108, %dma_start3A_109] : memref<4096x32x2x128xf32, #tpu.memory_space<hbm>> -> memref<4x32x2x128xf32, #tpu.memory_space<hbm>>
      %dma_start3A_111 = arith.constant 0 : i32
      %dma_start3A_112 = arith.constant 0 : i32
      %dma_start3A_113 = arith.constant 0 : i32
      %dma_start3A_114 = tpu.memref_slice %arg4[%add3A_106, %dma_start3A_111, %dma_start3A_112, %dma_start3A_113] : memref<4096x32x2x128xf32, #tpu.memory_space<hbm>> -> memref<4x32x2x128xf32, #tpu.memory_space<hbm>>
      tpu.enqueue_dma source(%arg8 : memref<4x32x2x128xf32, #tpu.memory_space<vmem>>) target(%dma_start3A_114 : memref<4x32x2x128xf32, #tpu.memory_space<hbm>>) target_semaphore(%arg11 : memref<!tpu.dma_semaphore, #tpu.memory_space<semaphore_mem>>)
      %mul3A_115 = arith.constant 2 : i32
      %mul3A_116 = arith.muli %scan3A_46, %mul3A_115 : i32
      %add3A_117 = arith.constant 1 : i32
      %add3A_118 = arith.addi %mul3A_116, %add3A_117 : i32
      %jit3A_119 = arith.constant 2 : i32
      %div3A_120 = arith.divsi %add3A_118, %jit3A_119 : i32
      %sign3A_121 = arith.constant 0 : i32
      %sign3A_122 = arith.cmpi sgt, %add3A_118, %sign3A_121 : i32
      %sign3A_123 = arith.extui %sign3A_122 : i1 to i32
      %sign3A_124 = arith.constant 0 : i32
      %sign3A_125 = arith.cmpi slt, %add3A_118, %sign3A_124 : i32
      %sign3A_126 = arith.extui %sign3A_125 : i1 to i32
      %sign3A_127 = arith.subi %sign3A_123, %sign3A_126 : i32
      %sign3A_128 = arith.constant 0 : i32
      %sign3A_129 = arith.cmpi sgt, %jit3A_119, %sign3A_128 : i32
      %sign3A_130 = arith.extui %sign3A_129 : i1 to i32
      %sign3A_131 = arith.constant 0 : i32
      %sign3A_132 = arith.cmpi slt, %jit3A_119, %sign3A_131 : i32
      %sign3A_133 = arith.extui %sign3A_132 : i1 to i32
      %sign3A_134 = arith.subi %sign3A_130, %sign3A_133 : i32
      %ne3A_135 = arith.cmpi ne, %sign3A_127, %sign3A_134 : i32
      %rem3A_136 = arith.remsi %add3A_118, %jit3A_119 : i32
      %ne3A_137 = arith.constant 0 : i32
      %ne3A_138 = arith.cmpi ne, %rem3A_136, %ne3A_137 : i32
      %and3A_139 = arith.andi %ne3A_135, %ne3A_138 : i1
      %sub3A_140 = arith.constant 1 : i32
      %sub3A_141 = arith.subi %div3A_120, %sub3A_140 : i32
      %select_n3A_142 = arith.select %and3A_139, %sub3A_141, %div3A_120 : i32
      %add3A_143 = arith.addi %mul3A_2, %select_n3A_142 : i32
      %jit3A_144 = arith.constant 2 : i32
      %eq3A_145 = arith.constant 0 : i32
      %eq3A_146 = arith.cmpi eq, %jit3A_144, %eq3A_145 : i32
      %jit3A_147 = arith.constant 1 : i32
      %select_n3A_148 = arith.select %eq3A_146, %jit3A_147, %jit3A_144 : i32
      %rem3A_149 = arith.remsi %add3A_118, %select_n3A_148 : i32
      %ne3A_150 = arith.constant 0 : i32
      %ne3A_151 = arith.cmpi ne, %rem3A_149, %ne3A_150 : i32
      %lt3A_152 = arith.constant 0 : i32
      %lt3A_153 = arith.cmpi slt, %rem3A_149, %lt3A_152 : i32
      %lt3A_154 = arith.constant 0 : i32
      %lt3A_155 = arith.cmpi slt, %select_n3A_148, %lt3A_154 : i32
      %ne3A_156 = arith.xori %lt3A_153, %lt3A_155 : i1
      %and3A_157 = arith.andi %ne3A_156, %ne3A_151 : i1
      %add3A_158 = arith.addi %rem3A_149, %select_n3A_148 : i32
      %select_n3A_159 = arith.select %and3A_157, %add3A_158, %rem3A_149 : i32
      %mul3A_160 = arith.constant 4 : i32
      %mul3A_161 = arith.muli %select_n3A_159, %mul3A_160 : i32
      %dma_wait3A_162 = arith.constant 0 : i32
      %dma_wait3A_163 = arith.constant 0 : i32
      %dma_wait3A_164 = tpu.memref_slice %arg2[%add3A_143, %dma_wait3A_162, %mul3A_161, %dma_wait3A_163] : memref<512x32x8x128xf32, #tpu.memory_space<hbm>> -> memref<1x32x4x128xf32, #tpu.memory_space<hbm>>
      %dma_wait3A_165 = tpu.memref_squeeze %dma_wait3A_164 : memref<1x32x4x128xf32, #tpu.memory_space<hbm>> -> memref<32x4x128xf32, #tpu.memory_space<hbm>>
      %dma_wait3A_166 = arith.constant 0 : i32
      %dma_wait3A_167 = arith.constant 0 : i32
      %dma_wait3A_168 = tpu.memref_slice %arg2[%add3A_143, %dma_wait3A_166, %mul3A_161, %dma_wait3A_167] : memref<512x32x8x128xf32, #tpu.memory_space<hbm>> -> memref<1x32x4x128xf32, #tpu.memory_space<hbm>>
      %dma_wait3A_169 = tpu.memref_squeeze %dma_wait3A_168 : memref<1x32x4x128xf32, #tpu.memory_space<hbm>> -> memref<32x4x128xf32, #tpu.memory_space<hbm>>
      tpu.wait_dma2 semaphore(%arg10 : memref<!tpu.dma_semaphore, #tpu.memory_space<semaphore_mem>>) src(%dma_wait3A_169 : memref<32x4x128xf32, #tpu.memory_space<hbm>>) dst(%arg7 : memref<32x4x128xf32, #tpu.memory_space<vmem>>)
      %add3A_170 = arith.constant 1 : i32
      %add3A_171 = arith.addi %add3A_118, %add3A_170 : i32
      %lt3A_172 = arith.constant 32 : i32
      %lt3A_173 = arith.cmpi slt, %add3A_171, %lt3A_172 : i32
      %convert_element_type3A_174 = arith.extui %lt3A_173 : i1 to i32
      %cond3A_175 = arith.constant 0 : i32
      %cond3A_176 = arith.cmpi ne, %convert_element_type3A_174, %cond3A_175 : i32
      scf.if %cond3A_176 {
        %add3A_199 = arith.constant 1 : i32
        %add3A_200 = arith.addi %add3A_118, %add3A_199 : i32
        %jit3A_201 = arith.constant 2 : i32
        %div3A_202 = arith.divsi %add3A_200, %jit3A_201 : i32
        %sign3A_203 = arith.constant 0 : i32
        %sign3A_204 = arith.cmpi sgt, %add3A_200, %sign3A_203 : i32
        %sign3A_205 = arith.extui %sign3A_204 : i1 to i32
        %sign3A_206 = arith.constant 0 : i32
        %sign3A_207 = arith.cmpi slt, %add3A_200, %sign3A_206 : i32
        %sign3A_208 = arith.extui %sign3A_207 : i1 to i32
        %sign3A_209 = arith.subi %sign3A_205, %sign3A_208 : i32
        %sign3A_210 = arith.constant 0 : i32
        %sign3A_211 = arith.cmpi sgt, %jit3A_201, %sign3A_210 : i32
        %sign3A_212 = arith.extui %sign3A_211 : i1 to i32
        %sign3A_213 = arith.constant 0 : i32
        %sign3A_214 = arith.cmpi slt, %jit3A_201, %sign3A_213 : i32
        %sign3A_215 = arith.extui %sign3A_214 : i1 to i32
        %sign3A_216 = arith.subi %sign3A_212, %sign3A_215 : i32
        %ne3A_217 = arith.cmpi ne, %sign3A_209, %sign3A_216 : i32
        %rem3A_218 = arith.remsi %add3A_200, %jit3A_201 : i32
        %ne3A_219 = arith.constant 0 : i32
        %ne3A_220 = arith.cmpi ne, %rem3A_218, %ne3A_219 : i32
        %and3A_221 = arith.andi %ne3A_217, %ne3A_220 : i1
        %sub3A_222 = arith.constant 1 : i32
        %sub3A_223 = arith.subi %div3A_202, %sub3A_222 : i32
        %select_n3A_224 = arith.select %and3A_221, %sub3A_223, %div3A_202 : i32
        %add3A_225 = arith.addi %mul3A_2, %select_n3A_224 : i32
        %jit3A_226 = arith.constant 2 : i32
        %eq3A_227 = arith.constant 0 : i32
        %eq3A_228 = arith.cmpi eq, %jit3A_226, %eq3A_227 : i32
        %jit3A_229 = arith.constant 1 : i32
        %select_n3A_230 = arith.select %eq3A_228, %jit3A_229, %jit3A_226 : i32
        %rem3A_231 = arith.remsi %add3A_200, %select_n3A_230 : i32
        %ne3A_232 = arith.constant 0 : i32
        %ne3A_233 = arith.cmpi ne, %rem3A_231, %ne3A_232 : i32
        %lt3A_234 = arith.constant 0 : i32
        %lt3A_235 = arith.cmpi slt, %rem3A_231, %lt3A_234 : i32
        %lt3A_236 = arith.constant 0 : i32
        %lt3A_237 = arith.cmpi slt, %select_n3A_230, %lt3A_236 : i32
        %ne3A_238 = arith.xori %lt3A_235, %lt3A_237 : i1
        %and3A_239 = arith.andi %ne3A_238, %ne3A_233 : i1
        %add3A_240 = arith.addi %rem3A_231, %select_n3A_230 : i32
        %select_n3A_241 = arith.select %and3A_239, %add3A_240, %rem3A_231 : i32
        %mul3A_242 = arith.constant 4 : i32
        %mul3A_243 = arith.muli %select_n3A_241, %mul3A_242 : i32
        %dma_start3A_244 = arith.constant 0 : i32
        %dma_start3A_245 = arith.constant 0 : i32
        %dma_start3A_246 = tpu.memref_slice %arg2[%add3A_225, %dma_start3A_244, %mul3A_243, %dma_start3A_245] : memref<512x32x8x128xf32, #tpu.memory_space<hbm>> -> memref<1x32x4x128xf32, #tpu.memory_space<hbm>>
        %dma_start3A_247 = tpu.memref_squeeze %dma_start3A_246 : memref<1x32x4x128xf32, #tpu.memory_space<hbm>> -> memref<32x4x128xf32, #tpu.memory_space<hbm>>
        %dma_start3A_248 = arith.constant 0 : i32
        %dma_start3A_249 = arith.constant 0 : i32
        %dma_start3A_250 = tpu.memref_slice %arg2[%add3A_225, %dma_start3A_248, %mul3A_243, %dma_start3A_249] : memref<512x32x8x128xf32, #tpu.memory_space<hbm>> -> memref<1x32x4x128xf32, #tpu.memory_space<hbm>>
        %dma_start3A_251 = tpu.memref_squeeze %dma_start3A_250 : memref<1x32x4x128xf32, #tpu.memory_space<hbm>> -> memref<32x4x128xf32, #tpu.memory_space<hbm>>
        tpu.enqueue_dma source(%dma_start3A_251 : memref<32x4x128xf32, #tpu.memory_space<hbm>>) target(%arg6 : memref<32x4x128xf32, #tpu.memory_space<vmem>>) target_semaphore(%arg10 : memref<!tpu.dma_semaphore, #tpu.memory_space<semaphore_mem>>)
      } else {
      }
      %ge3A_177 = arith.constant 2 : i32
      %ge3A_178 = arith.cmpi sge, %add3A_118, %ge3A_177 : i32
      %convert_element_type3A_179 = arith.extui %ge3A_178 : i1 to i32
      %cond3A_180 = arith.constant 0 : i32
      %cond3A_181 = arith.cmpi ne, %convert_element_type3A_179, %cond3A_180 : i32
      scf.if %cond3A_181 {
        %dma_wait3A_199 = arith.constant 0 : i32
        %dma_wait3A_200 = arith.constant 0 : i32
        %dma_wait3A_201 = arith.constant 0 : i32
        %dma_wait3A_202 = arith.constant 0 : i32
        %dma_wait3A_203 = tpu.memref_slice %arg4[%dma_wait3A_199, %dma_wait3A_200, %dma_wait3A_201, %dma_wait3A_202] : memref<4096x32x2x128xf32, #tpu.memory_space<hbm>> -> memref<4x32x2x128xf32, #tpu.memory_space<hbm>>
        %dma_wait3A_204 = arith.constant 0 : i32
        %dma_wait3A_205 = arith.constant 0 : i32
        %dma_wait3A_206 = arith.constant 0 : i32
        %dma_wait3A_207 = arith.constant 0 : i32
        %dma_wait3A_208 = tpu.memref_slice %arg4[%dma_wait3A_204, %dma_wait3A_205, %dma_wait3A_206, %dma_wait3A_207] : memref<4096x32x2x128xf32, #tpu.memory_space<hbm>> -> memref<4x32x2x128xf32, #tpu.memory_space<hbm>>
        tpu.wait_dma2 semaphore(%arg11 : memref<!tpu.dma_semaphore, #tpu.memory_space<semaphore_mem>>) src(%arg9 : memref<4x32x2x128xf32, #tpu.memory_space<vmem>>) dst(%dma_wait3A_208 : memref<4x32x2x128xf32, #tpu.memory_space<hbm>>)
      } else {
      }
      %parallel_loop3A_182 = arith.constant 0 : i32
      %parallel_loop3A_183 = arith.constant 512 : i32
      %parallel_loop3A_184 = arith.constant 1 : i32
      scf.for %parallel_loop3A_199 = %parallel_loop3A_182 to %parallel_loop3A_183 step %parallel_loop3A_184  : i32 {
        %parallel_loop3A_200 = arith.constant 16 : i32
        %parallel_loop3A_201 = arith.divsi %parallel_loop3A_199, %parallel_loop3A_200 : i32
        %parallel_loop3A_202 = arith.constant 0 : i32
        %parallel_loop3A_203 = arith.cmpi sgt, %parallel_loop3A_199, %parallel_loop3A_202 : i32
        %parallel_loop3A_204 = arith.extui %parallel_loop3A_203 : i1 to i32
        %parallel_loop3A_205 = arith.constant 0 : i32
        %parallel_loop3A_206 = arith.cmpi slt, %parallel_loop3A_199, %parallel_loop3A_205 : i32
        %parallel_loop3A_207 = arith.extui %parallel_loop3A_206 : i1 to i32
        %parallel_loop3A_208 = arith.subi %parallel_loop3A_204, %parallel_loop3A_207 : i32
        %parallel_loop3A_209 = arith.constant 0 : i32
        %parallel_loop3A_210 = arith.cmpi sgt, %parallel_loop3A_200, %parallel_loop3A_209 : i32
        %parallel_loop3A_211 = arith.extui %parallel_loop3A_210 : i1 to i32
        %parallel_loop3A_212 = arith.constant 0 : i32
        %parallel_loop3A_213 = arith.cmpi slt, %parallel_loop3A_200, %parallel_loop3A_212 : i32
        %parallel_loop3A_214 = arith.extui %parallel_loop3A_213 : i1 to i32
        %parallel_loop3A_215 = arith.subi %parallel_loop3A_211, %parallel_loop3A_214 : i32
        %parallel_loop3A_216 = arith.cmpi ne, %parallel_loop3A_208, %parallel_loop3A_215 : i32
        %parallel_loop3A_217 = arith.remsi %parallel_loop3A_199, %parallel_loop3A_200 : i32
        %parallel_loop3A_218 = arith.constant 0 : i32
        %parallel_loop3A_219 = arith.cmpi ne, %parallel_loop3A_217, %parallel_loop3A_218 : i32
        %parallel_loop3A_220 = arith.andi %parallel_loop3A_216, %parallel_loop3A_219 : i1
        %parallel_loop3A_221 = arith.constant 1 : i32
        %parallel_loop3A_222 = arith.subi %parallel_loop3A_201, %parallel_loop3A_221 : i32
        %parallel_loop3A_223 = arith.select %parallel_loop3A_220, %parallel_loop3A_222, %parallel_loop3A_201 : i32
        %parallel_loop3A_224 = arith.constant 8 : i32
        %parallel_loop3A_225 = arith.divsi %parallel_loop3A_199, %parallel_loop3A_224 : i32
        %parallel_loop3A_226 = arith.constant 0 : i32
        %parallel_loop3A_227 = arith.cmpi sgt, %parallel_loop3A_199, %parallel_loop3A_226 : i32
        %parallel_loop3A_228 = arith.extui %parallel_loop3A_227 : i1 to i32
        %parallel_loop3A_229 = arith.constant 0 : i32
        %parallel_loop3A_230 = arith.cmpi slt, %parallel_loop3A_199, %parallel_loop3A_229 : i32
        %parallel_loop3A_231 = arith.extui %parallel_loop3A_230 : i1 to i32
        %parallel_loop3A_232 = arith.subi %parallel_loop3A_228, %parallel_loop3A_231 : i32
        %parallel_loop3A_233 = arith.constant 0 : i32
        %parallel_loop3A_234 = arith.cmpi sgt, %parallel_loop3A_224, %parallel_loop3A_233 : i32
        %parallel_loop3A_235 = arith.extui %parallel_loop3A_234 : i1 to i32
        %parallel_loop3A_236 = arith.constant 0 : i32
        %parallel_loop3A_237 = arith.cmpi slt, %parallel_loop3A_224, %parallel_loop3A_236 : i32
        %parallel_loop3A_238 = arith.extui %parallel_loop3A_237 : i1 to i32
        %parallel_loop3A_239 = arith.subi %parallel_loop3A_235, %parallel_loop3A_238 : i32
        %parallel_loop3A_240 = arith.cmpi ne, %parallel_loop3A_232, %parallel_loop3A_239 : i32
        %parallel_loop3A_241 = arith.remsi %parallel_loop3A_199, %parallel_loop3A_224 : i32
        %parallel_loop3A_242 = arith.constant 0 : i32
        %parallel_loop3A_243 = arith.cmpi ne, %parallel_loop3A_241, %parallel_loop3A_242 : i32
        %parallel_loop3A_244 = arith.andi %parallel_loop3A_240, %parallel_loop3A_243 : i1
        %parallel_loop3A_245 = arith.constant 1 : i32
        %parallel_loop3A_246 = arith.subi %parallel_loop3A_225, %parallel_loop3A_245 : i32
        %parallel_loop3A_247 = arith.select %parallel_loop3A_244, %parallel_loop3A_246, %parallel_loop3A_225 : i32
        %parallel_loop3A_248 = arith.constant 2 : i32
        %parallel_loop3A_249 = arith.constant 0 : i32
        %parallel_loop3A_250 = arith.cmpi eq, %parallel_loop3A_248, %parallel_loop3A_249 : i32
        %parallel_loop3A_251 = arith.constant 1 : i32
        %parallel_loop3A_252 = arith.select %parallel_loop3A_250, %parallel_loop3A_251, %parallel_loop3A_248 : i32
        %parallel_loop3A_253 = arith.remsi %parallel_loop3A_247, %parallel_loop3A_252 : i32
        %parallel_loop3A_254 = arith.constant 0 : i32
        %parallel_loop3A_255 = arith.cmpi ne, %parallel_loop3A_253, %parallel_loop3A_254 : i32
        %parallel_loop3A_256 = arith.constant 0 : i32
        %parallel_loop3A_257 = arith.cmpi slt, %parallel_loop3A_253, %parallel_loop3A_256 : i32
        %parallel_loop3A_258 = arith.constant 0 : i32
        %parallel_loop3A_259 = arith.cmpi slt, %parallel_loop3A_252, %parallel_loop3A_258 : i32
        %parallel_loop3A_260 = arith.xori %parallel_loop3A_257, %parallel_loop3A_259 : i1
        %parallel_loop3A_261 = arith.andi %parallel_loop3A_260, %parallel_loop3A_255 : i1
        %parallel_loop3A_262 = arith.addi %parallel_loop3A_253, %parallel_loop3A_252 : i32
        %parallel_loop3A_263 = arith.select %parallel_loop3A_261, %parallel_loop3A_262, %parallel_loop3A_253 : i32
        %parallel_loop3A_264 = arith.constant 8 : i32
        %parallel_loop3A_265 = arith.constant 0 : i32
        %parallel_loop3A_266 = arith.cmpi eq, %parallel_loop3A_264, %parallel_loop3A_265 : i32
        %parallel_loop3A_267 = arith.constant 1 : i32
        %parallel_loop3A_268 = arith.select %parallel_loop3A_266, %parallel_loop3A_267, %parallel_loop3A_264 : i32
        %parallel_loop3A_269 = arith.remsi %parallel_loop3A_199, %parallel_loop3A_268 : i32
        %parallel_loop3A_270 = arith.constant 0 : i32
        %parallel_loop3A_271 = arith.cmpi ne, %parallel_loop3A_269, %parallel_loop3A_270 : i32
        %parallel_loop3A_272 = arith.constant 0 : i32
        %parallel_loop3A_273 = arith.cmpi slt, %parallel_loop3A_269, %parallel_loop3A_272 : i32
        %parallel_loop3A_274 = arith.constant 0 : i32
        %parallel_loop3A_275 = arith.cmpi slt, %parallel_loop3A_268, %parallel_loop3A_274 : i32
        %parallel_loop3A_276 = arith.xori %parallel_loop3A_273, %parallel_loop3A_275 : i1
        %parallel_loop3A_277 = arith.andi %parallel_loop3A_276, %parallel_loop3A_271 : i1
        %parallel_loop3A_278 = arith.addi %parallel_loop3A_269, %parallel_loop3A_268 : i32
        %parallel_loop3A_279 = arith.select %parallel_loop3A_277, %parallel_loop3A_278, %parallel_loop3A_269 : i32
        %parallel_loop3A_280 = arith.constant 16 : i32
        %parallel_loop3A_281 = arith.muli %parallel_loop3A_279, %parallel_loop3A_280 : i32
        %parallel_loop3A_282 = arith.constant 16 : i32
        %parallel_loop3A_283 = arith.muli %parallel_loop3A_199, %parallel_loop3A_282 : i32
        %parallel_loop3A_284 = arith.index_cast %parallel_loop3A_283 : i32 to index
        %parallel_loop3A_285 = tpu.vector_load %arg5[%parallel_loop3A_284] {strides = array<i32>} : memref<8192xi32, #tpu.memory_space<vmem>>, vector<16xi32>,
        %parallel_loop3A_286 = arith.constant 7 : i32
        %parallel_loop3A_287 = vector.broadcast %parallel_loop3A_286 : i32 to vector<16xi32>
        %parallel_loop3A_288 = arith.shrsi %parallel_loop3A_285, %parallel_loop3A_287 : vector<16xi32>
        %parallel_loop3A_289 = arith.constant 127 : i32
        %parallel_loop3A_290 = vector.broadcast %parallel_loop3A_289 : i32 to vector<16xi32>
        %parallel_loop3A_291 = arith.andi %parallel_loop3A_285, %parallel_loop3A_290 : vector<16xi32>
        %parallel_loop3A_292 = tpu.vector_load_idx %arg7[%parallel_loop3A_288, %broadcast_in_dim3A_14, %parallel_loop3A_291] : memref<32x4x128xf32, #tpu.memory_space<vmem>>[vector<16xi32>, vector<16xi32>, vector<16xi32>], vector<16xf32>,
        %parallel_loop3A_293 = arith.constant 0 : i32
        %parallel_loop3A_294 = arith.index_cast %parallel_loop3A_293 : i32 to index
        %parallel_loop3A_295 = arith.index_cast %parallel_loop3A_223 : i32 to index
        %parallel_loop3A_296 = arith.index_cast %parallel_loop3A_263 : i32 to index
        %parallel_loop3A_297 = arith.index_cast %parallel_loop3A_281 : i32 to index
        %parallel_loop3A_298 = tpu.vector_load %arg9[%parallel_loop3A_294, %parallel_loop3A_295, %parallel_loop3A_296, %parallel_loop3A_297] {strides = array<i32>} : memref<4x32x2x128xf32, #tpu.memory_space<vmem>>, vector<16xf32>,
        tpu.vector_store %arg9[%parallel_loop3A_294, %parallel_loop3A_295, %parallel_loop3A_296, %parallel_loop3A_297], %parallel_loop3A_292 {strides = array<i32>} : memref<4x32x2x128xf32, #tpu.memory_space<vmem>>, vector<16xf32>,
        %parallel_loop3A_299 = tpu.vector_load_idx %arg7[%parallel_loop3A_288, %broadcast_in_dim3A_16, %parallel_loop3A_291] : memref<32x4x128xf32, #tpu.memory_space<vmem>>[vector<16xi32>, vector<16xi32>, vector<16xi32>], vector<16xf32>,
        %parallel_loop3A_300 = arith.constant 1 : i32
        %parallel_loop3A_301 = arith.index_cast %parallel_loop3A_300 : i32 to index
        %parallel_loop3A_302 = arith.index_cast %parallel_loop3A_223 : i32 to index
        %parallel_loop3A_303 = arith.index_cast %parallel_loop3A_263 : i32 to index
        %parallel_loop3A_304 = arith.index_cast %parallel_loop3A_281 : i32 to index
        %parallel_loop3A_305 = tpu.vector_load %arg9[%parallel_loop3A_301, %parallel_loop3A_302, %parallel_loop3A_303, %parallel_loop3A_304] {strides = array<i32>} : memref<4x32x2x128xf32, #tpu.memory_space<vmem>>, vector<16xf32>,
        tpu.vector_store %arg9[%parallel_loop3A_301, %parallel_loop3A_302, %parallel_loop3A_303, %parallel_loop3A_304], %parallel_loop3A_299 {strides = array<i32>} : memref<4x32x2x128xf32, #tpu.memory_space<vmem>>, vector<16xf32>,
        %parallel_loop3A_306 = tpu.vector_load_idx %arg7[%parallel_loop3A_288, %broadcast_in_dim3A_18, %parallel_loop3A_291] : memref<32x4x128xf32, #tpu.memory_space<vmem>>[vector<16xi32>, vector<16xi32>, vector<16xi32>], vector<16xf32>,
        %parallel_loop3A_307 = arith.constant 2 : i32
        %parallel_loop3A_308 = arith.index_cast %parallel_loop3A_307 : i32 to index
        %parallel_loop3A_309 = arith.index_cast %parallel_loop3A_223 : i32 to index
        %parallel_loop3A_310 = arith.index_cast %parallel_loop3A_263 : i32 to index
        %parallel_loop3A_311 = arith.index_cast %parallel_loop3A_281 : i32 to index
        %parallel_loop3A_312 = tpu.vector_load %arg9[%parallel_loop3A_308, %parallel_loop3A_309, %parallel_loop3A_310, %parallel_loop3A_311] {strides = array<i32>} : memref<4x32x2x128xf32, #tpu.memory_space<vmem>>, vector<16xf32>,
        tpu.vector_store %arg9[%parallel_loop3A_308, %parallel_loop3A_309, %parallel_loop3A_310, %parallel_loop3A_311], %parallel_loop3A_306 {strides = array<i32>} : memref<4x32x2x128xf32, #tpu.memory_space<vmem>>, vector<16xf32>,
        %parallel_loop3A_313 = tpu.vector_load_idx %arg7[%parallel_loop3A_288, %broadcast_in_dim3A_20, %parallel_loop3A_291] : memref<32x4x128xf32, #tpu.memory_space<vmem>>[vector<16xi32>, vector<16xi32>, vector<16xi32>], vector<16xf32>,
        %parallel_loop3A_314 = arith.constant 3 : i32
        %parallel_loop3A_315 = arith.index_cast %parallel_loop3A_314 : i32 to index
        %parallel_loop3A_316 = arith.index_cast %parallel_loop3A_223 : i32 to index
        %parallel_loop3A_317 = arith.index_cast %parallel_loop3A_263 : i32 to index
        %parallel_loop3A_318 = arith.index_cast %parallel_loop3A_281 : i32 to index
        %parallel_loop3A_319 = tpu.vector_load %arg9[%parallel_loop3A_315, %parallel_loop3A_316, %parallel_loop3A_317, %parallel_loop3A_318] {strides = array<i32>} : memref<4x32x2x128xf32, #tpu.memory_space<vmem>>, vector<16xf32>,
        tpu.vector_store %arg9[%parallel_loop3A_315, %parallel_loop3A_316, %parallel_loop3A_317, %parallel_loop3A_318], %parallel_loop3A_313 {strides = array<i32>} : memref<4x32x2x128xf32, #tpu.memory_space<vmem>>, vector<16xf32>,
      } {sc.loop_unroll_factor = 8 : i64, sc.parallel_access}
      %mul3A_185 = arith.constant 128 : i32
      %mul3A_186 = arith.muli %add3A, %mul3A_185 : i32
      %mul3A_187 = arith.constant 4 : i32
      %mul3A_188 = arith.muli %add3A_118, %mul3A_187 : i32
      %add3A_189 = arith.addi %mul3A_186, %mul3A_188 : i32
      %dma_start3A_190 = arith.constant 0 : i32
      %dma_start3A_191 = arith.constant 0 : i32
      %dma_start3A_192 = arith.constant 0 : i32
      %dma_start3A_193 = tpu.memref_slice %arg4[%add3A_189, %dma_start3A_190, %dma_start3A_191, %dma_start3A_192] : memref<4096x32x2x128xf32, #tpu.memory_space<hbm>> -> memref<4x32x2x128xf32, #tpu.memory_space<hbm>>
      %dma_start3A_194 = arith.constant 0 : i32
      %dma_start3A_195 = arith.constant 0 : i32
      %dma_start3A_196 = arith.constant 0 : i32
      %dma_start3A_197 = tpu.memref_slice %arg4[%add3A_189, %dma_start3A_194, %dma_start3A_195, %dma_start3A_196] : memref<4096x32x2x128xf32, #tpu.memory_space<hbm>> -> memref<4x32x2x128xf32, #tpu.memory_space<hbm>>
      tpu.enqueue_dma source(%arg9 : memref<4x32x2x128xf32, #tpu.memory_space<vmem>>) target(%dma_start3A_197 : memref<4x32x2x128xf32, #tpu.memory_space<hbm>>) target_semaphore(%arg11 : memref<!tpu.dma_semaphore, #tpu.memory_space<semaphore_mem>>)
      %scan3A_198 = arith.constant 0 : i32
      scf.yield %scan3A_198 : i32
    }
    %scan3A_26 = arith.constant 16 : i32
    %dma_wait3A = arith.constant 0 : i32
    %dma_wait3A_27 = arith.constant 0 : i32
    %dma_wait3A_28 = arith.constant 0 : i32
    %dma_wait3A_29 = arith.constant 0 : i32
    %dma_wait3A_30 = tpu.memref_slice %arg4[%dma_wait3A, %dma_wait3A_27, %dma_wait3A_28, %dma_wait3A_29] : memref<4096x32x2x128xf32, #tpu.memory_space<hbm>> -> memref<4x32x2x128xf32, #tpu.memory_space<hbm>>
    %dma_wait3A_31 = arith.constant 0 : i32
    %dma_wait3A_32 = arith.constant 0 : i32
    %dma_wait3A_33 = arith.constant 0 : i32
    %dma_wait3A_34 = arith.constant 0 : i32
    %dma_wait3A_35 = tpu.memref_slice %arg4[%dma_wait3A_31, %dma_wait3A_32, %dma_wait3A_33, %dma_wait3A_34] : memref<4096x32x2x128xf32, #tpu.memory_space<hbm>> -> memref<4x32x2x128xf32, #tpu.memory_space<hbm>>
    tpu.wait_dma2 semaphore(%arg11 : memref<!tpu.dma_semaphore, #tpu.memory_space<semaphore_mem>>) src(%arg8 : memref<4x32x2x128xf32, #tpu.memory_space<vmem>>) dst(%dma_wait3A_35 : memref<4x32x2x128xf32, #tpu.memory_space<hbm>>)
    %dma_wait3A_36 = arith.constant 0 : i32
    %dma_wait3A_37 = arith.constant 0 : i32
    %dma_wait3A_38 = arith.constant 0 : i32
    %dma_wait3A_39 = arith.constant 0 : i32
    %dma_wait3A_40 = tpu.memref_slice %arg4[%dma_wait3A_36, %dma_wait3A_37, %dma_wait3A_38, %dma_wait3A_39] : memref<4096x32x2x128xf32, #tpu.memory_space<hbm>> -> memref<4x32x2x128xf32, #tpu.memory_space<hbm>>
    %dma_wait3A_41 = arith.constant 0 : i32
    %dma_wait3A_42 = arith.constant 0 : i32
    %dma_wait3A_43 = arith.constant 0 : i32
    %dma_wait3A_44 = arith.constant 0 : i32
    %dma_wait3A_45 = tpu.memref_slice %arg4[%dma_wait3A_41, %dma_wait3A_42, %dma_wait3A_43, %dma_wait3A_44] : memref<4096x32x2x128xf32, #tpu.memory_space<hbm>> -> memref<4x32x2x128xf32, #tpu.memory_space<hbm>>
    tpu.wait_dma2 semaphore(%arg11 : memref<!tpu.dma_semaphore, #tpu.memory_space<semaphore_mem>>) src(%arg9 : memref<4x32x2x128xf32, #tpu.memory_space<vmem>>) dst(%dma_wait3A_45 : memref<4x32x2x128xf32, #tpu.memory_space<hbm>>)
    return
  }
}

module attributes {stable_mosaic.version = 14 : i64} {
  func.func @_argmax_body(%arg0: i32, %arg1: i32, %arg2: memref<1024x2x1024xf32, #tpu.memory_space<vmem>>, %arg3: memref<1x2048xi32, #tpu.memory_space<vmem>>, %arg4: memref<2x1024xf32, #tpu.memory_space<vmem>>, %arg5: memref<2x1024xi32, #tpu.memory_space<vmem>>) attributes {dimension_semantics = [#tpu.dimension_semantics<arbitrary>, #tpu.dimension_semantics<arbitrary>], iteration_bounds = array<i64: 4, 4>, scalar_prefetch = 0 : i64, scratch_operands = 2 : i64, tpu.core_type = #tpu.core_type<tc>, window_params = [{transform_indices = @transform_0, window_bounds = array<i64: 1024, 2, 1024>}, {transform_indices = @transform_1, window_bounds = array<i64: 1, 2048>}]} {
    %eq3A = arith.constant 0 : i32
    %eq3A_0 = arith.cmpi eq, %arg1, %eq3A : i32
    %convert_element_type3A = arith.extui %eq3A_0 : i1 to i32
    %cond3A = arith.constant 0 : i32
    %cond3A_1 = arith.cmpi ne, %convert_element_type3A, %cond3A : i32
    scf.if %cond3A_1 {
      %broadcast_in_dim3A = arith.constant 0xFF800000 : f32
      %broadcast_in_dim3A_28 = vector.broadcast %broadcast_in_dim3A : f32 to vector<2x1024xf32>
      %swap3A_29 = arith.constant 0 : index
      %swap3A_30 = arith.constant 0 : index
      %swap3A_31 = vector.load %arg4[%swap3A_29, %swap3A_30] : memref<2x1024xf32, #tpu.memory_space<vmem>>, vector<2x1024xf32>
      tpu.vector_store %arg4[%swap3A_29, %swap3A_30], %broadcast_in_dim3A_28 {strides = array<i32>} : memref<2x1024xf32, #tpu.memory_space<vmem>>, vector<2x1024xf32>,
      %broadcast_in_dim3A_32 = arith.constant 0 : i32
      %broadcast_in_dim3A_33 = vector.broadcast %broadcast_in_dim3A_32 : i32 to vector<2x1024xi32>
      %swap3A_34 = arith.constant 0 : index
      %swap3A_35 = arith.constant 0 : index
      %swap3A_36 = vector.load %arg5[%swap3A_34, %swap3A_35] : memref<2x1024xi32, #tpu.memory_space<vmem>>, vector<2x1024xi32>
      tpu.vector_store %arg5[%swap3A_34, %swap3A_35], %broadcast_in_dim3A_33 {strides = array<i32>} : memref<2x1024xi32, #tpu.memory_space<vmem>>, vector<2x1024xi32>,
    } else {
    }
    %get3A = arith.constant 0 : index
    %get3A_2 = arith.constant 0 : index
    %get3A_3 = arith.constant 0 : index
    %get3A_4 = vector.load %arg2[%get3A, %get3A_2, %get3A_3] : memref<1024x2x1024xf32, #tpu.memory_space<vmem>>, vector<1024x2x1024xf32>
    %reduce_max3A = arith.constant dense<0xFF800000> : vector<2x1024xf32>
    %reduce_max3A_5 = vector.multi_reduction <maximumf>, %get3A_4, %reduce_max3A [0] : vector<1024x2x1024xf32> to vector<2x1024xf32>
    %argmax3A = tpu.reduce_index %get3A_4 {axis = 0 : i32, kind = #tpu.reduction_kind<arg_max>} : vector<1024x2x1024xf32> -> vector<2x1024xi32>
    %get3A_6 = arith.constant 0 : index
    %get3A_7 = arith.constant 0 : index
    %get3A_8 = vector.load %arg4[%get3A_6, %get3A_7] : memref<2x1024xf32, #tpu.memory_space<vmem>>, vector<2x1024xf32>
    %gt3A = arith.cmpf ogt, %reduce_max3A_5, %get3A_8 : vector<2x1024xf32>
    %mul3A = arith.constant 1024 : i32
    %mul3A_9 = arith.muli %arg1, %mul3A : i32
    %add3A = vector.broadcast %mul3A_9 : i32 to vector<2x1024xi32>
    %add3A_10 = arith.addi %add3A, %argmax3A : vector<2x1024xi32>
    %get3A_11 = arith.constant 0 : index
    %get3A_12 = arith.constant 0 : index
    %get3A_13 = vector.load %arg5[%get3A_11, %get3A_12] : memref<2x1024xi32, #tpu.memory_space<vmem>>, vector<2x1024xi32>
    %select_n3A = arith.select %gt3A, %add3A_10, %get3A_13 : vector<2x1024xi1>, vector<2x1024xi32>
    %swap3A = arith.constant 0 : index
    %swap3A_14 = arith.constant 0 : index
    %swap3A_15 = vector.load %arg5[%swap3A, %swap3A_14] : memref<2x1024xi32, #tpu.memory_space<vmem>>, vector<2x1024xi32>
    tpu.vector_store %arg5[%swap3A, %swap3A_14], %select_n3A {strides = array<i32>} : memref<2x1024xi32, #tpu.memory_space<vmem>>, vector<2x1024xi32>,
    %get3A_16 = arith.constant 0 : index
    %get3A_17 = arith.constant 0 : index
    %get3A_18 = vector.load %arg4[%get3A_16, %get3A_17] : memref<2x1024xf32, #tpu.memory_space<vmem>>, vector<2x1024xf32>
    %select_n3A_19 = arith.select %gt3A, %reduce_max3A_5, %get3A_18 : vector<2x1024xi1>, vector<2x1024xf32>
    %swap3A_20 = arith.constant 0 : index
    %swap3A_21 = arith.constant 0 : index
    %swap3A_22 = vector.load %arg4[%swap3A_20, %swap3A_21] : memref<2x1024xf32, #tpu.memory_space<vmem>>, vector<2x1024xf32>
    tpu.vector_store %arg4[%swap3A_20, %swap3A_21], %select_n3A_19 {strides = array<i32>} : memref<2x1024xf32, #tpu.memory_space<vmem>>, vector<2x1024xf32>,
    %eq3A_23 = arith.constant 3 : i32
    %eq3A_24 = arith.cmpi eq, %arg1, %eq3A_23 : i32
    %convert_element_type3A_25 = arith.extui %eq3A_24 : i1 to i32
    %cond3A_26 = arith.constant 0 : i32
    %cond3A_27 = arith.cmpi ne, %convert_element_type3A_25, %cond3A_26 : i32
    scf.if %cond3A_27 {
      %get3A_28 = arith.constant 0 : index
      %get3A_29 = arith.constant 0 : index
      %get3A_30 = vector.load %arg5[%get3A_28, %get3A_29] : memref<2x1024xi32, #tpu.memory_space<vmem>>, vector<2x1024xi32>
      %reshape3A = vector.shape_cast %get3A_30 : vector<2x1024xi32> to vector<2x8x128xi32>
      %transpose3A = tpu.transpose %reshape3A, [1, 0, 2] : vector<2x8x128xi32> -> vector<8x2x128xi32>
      %reshape3A_31 = vector.shape_cast %transpose3A : vector<8x2x128xi32> to vector<1x2048xi32>
      %swap3A_32 = arith.constant 0 : index
      %swap3A_33 = arith.constant 0 : index
      %swap3A_34 = vector.load %arg3[%swap3A_32, %swap3A_33] : memref<1x2048xi32, #tpu.memory_space<vmem>>, vector<1x2048xi32>
      tpu.vector_store %arg3[%swap3A_32, %swap3A_33], %reshape3A_31 {strides = array<i32>} : memref<1x2048xi32, #tpu.memory_space<vmem>>, vector<1x2048xi32>,
    } else {
    }
    return
  }
  func.func @transform_0(%arg0: i32, %arg1: i32) -> (i32, i32, i32) {
    %c0_i32 = arith.constant 0 : i32
    %c0_i32_0 = arith.constant 0 : i32
    return %arg1, %c0_i32, %arg0 : i32, i32, i32
  }
  func.func @transform_1(%arg0: i32, %arg1: i32) -> (i32, i32) {
    %c0_i32 = arith.constant 0 : i32
    %c0_i32_0 = arith.constant 0 : i32
    return %c0_i32, %arg0 : i32, i32
  }
}

</mosaic_0001>

<sc_bundles>
// kernel: kernel.4.cloned.1.call-start
scs
__scs_entry_jumppad:
0x0: {  	(pc) =	sbr.rel $0x88, $3  }
0x1: {  	(tag) =	ssettag $0x0;
	lr =	simm.s32 $0x1  }
0x2: {  	[smem:$0x3F9F] =	sst lr;
	_ =	strace $0xD0000000  }
0x3: {  	_ = 	snop  }
0x4: {  	_ = 	snop  }
0x5: {  	_ = 	snop  }
0x6: {  	_ = 	snop  }
0x7: {  	_ = 	snop  }
__scs_overlays_trampoline_lowered:
0x8: {  	[smem:$0x3FAE] =	sst s0  }
0x9: {  	[smem:$0x3FAF] =	sst s1  }
0xa: {  	[smem:$0x3FB0] =	sst s2  }
0xb: {  	[smem:$0x3FB1] =	sst s3  }
0xc: {  	[smem:$0x3FB2] =	sst s4  }
0xd: {  	[smem:$0x3FB3] =	sst s5  }
0xe: {  	[smem:$0x3FB4] =	sst s6  }
0xf: {  	[smem:$0x3FB5] =	sst s7  }
0x10: {  	[smem:$0x3FB6] =	sst s8  }
0x11: {  	[smem:$0x3FB7] =	sst s9;
	s0 =	simm.s32 @!p0 $0x0  }
0x12: {  	s1 =	sld [smem:$0x3F9D];
	s0 =	simm.s32 @p0 $0x1  }
0x13: {  	[smem:$0x3FB8] =	sst s0;
	s0 =	simm.s32 @!p1 $0x0  }
0x14: {  	s2 =	sld [smem:$0x3F9C];
	s0 =	simm.s32 @p1 $0x1  }
0x15: {  	[smem:$0x3FB9] =	sst s0;
	s0 =	simm.s32 @!p2 $0x0  }
0x16: {  	s3 =	sld [smem:$0x3FDB];
	s0 =	simm.s32 @p2 $0x1  }
0x17: {  	s4 =	simm.s32 $0x1BF5;
	[smem:$0x3FBB] =	sst s0  }
0x18: {  	s0 =	sld [smem:$0x3F9E];
	_ =	swait.ge [sflag:s4], $0x0  }
0x19: {  	s7 =	sld [smem:$0x3F9F]  }
0x1a: {  	s8 =	sadd.s32 $0xFFFFE003, lr  }
0x1b: {  	s9 =	sadd.s32 $0xFFFFFEF7, lr;
	s5 =	simm.s32 $0xFFFFFFFF;
	p2 =	slt.u32 s8, $0xFFFFF086  }
0x1c: {  	p1 =	slt.u32 s9, $0xF7A;
	s5 =	simm.s32 @!p2 $0x0  }
0x1d: {  	s5 =	simm.s32 @p1 $0x1;
	p0 =	seq.s32 s7, s2  }
0x1e: {  	s7 =	smul.u32 @!p0 $0xF7A, s2;
	p2 =	seq.s32 @!p0 s5, $0x0  }
0x1f: {  	s9 =	smul.u32 $0xF7A, s1;
	s8 =	simm.s32 @!p0 $0x1BF5;
	p2 =	por !p2, p0  }
0x20: {  	[sflag:s8] =	ssyncset.s32 @!p0 $0xFFFFF086;
	s6 =	sadd.s32 @!p0 s3, s7;
	s7 =	simm.s32 @!p0 $0x108  }
0x21: {  	s3 =	sadd.s32 s3, s9;
	s6 =	sadd.s32 @!p0 $0x88, s6;
	s7 =	simm.s32 @p2 $0x1082  }
0x22: {  	[simem:s7], [sflag:s8] =	dma.local @!p0 [hbm:s6], $0xF7A  }
0x23: {  	s9 =	sor.u32 $0xD0000000, s2;
	s6 =	simm.s32 $0x108;
	_ =	swait.ge @!p0 [sflag:s8], $0x0  }
0x24: {  	s3 =	sadd.s32 $0x88, s3;
	s6 =	simm.s32 @!p1 $0x1082;
	[sflag:s4] =	ssyncset.s32 $0xFFFFF086  }
0x25: {  	[simem:s6], [sflag:s4] =	dma.local [hbm:s3], $0xF7A  }
0x26: {  	[smem:$0x3F9F] =	sst s1;
	(tag) =	ssettag s2;
	_ =	strace s9  }
0x27: {  	s1 =	sld [smem:$0x3FAF]  }
0x28: {  	s2 =	sld [smem:$0x3FB0]  }
0x29: {  	s4 =	sld [smem:$0x3FB2]  }
0x2a: {  	p0 =	seq.s32 s5, $0x0;
	s5 =	sld [smem:$0x3FB3]  }
0x2b: {  	s6 =	sld [smem:$0x3FB4]  }
0x2c: {  	s7 =	sld [smem:$0x3FB5]  }
0x2d: {  	s3 =	simm.s32 $0x108;
	s8 =	sld [smem:$0x3FB6]  }
0x2e: {  	s3 =	simm.s32 @!p0 $0x1082;
	s9 =	sld [smem:$0x3FB7]  }
0x2f: {  	lr =	sadd.s32 s0, s3;
	s0 =	sld [smem:$0x3FAE]  }
0x30: {  	s3 =	sld [smem:$0x3FB1]  }
0x31: {  	[smem:$0x3FBA] =	sst s10  }
0x32: {  	s10 =	sld [smem:$0x3FB8];
	_ =	sdelay $0x3  }
0x33: {  	p0 =	seq.s32 s10, $0x1;
	s10 =	sld [smem:$0x3FBA];
	_ =	sdelay $0x3  }
0x34: {  	[smem:$0x3FBA] =	sst s10  }
0x35: {  	s10 =	sld [smem:$0x3FB9];
	_ =	sdelay $0x3  }
0x36: {  	p1 =	seq.s32 s10, $0x1;
	s10 =	sld [smem:$0x3FBA];
	_ =	sdelay $0x3  }
0x37: {  	[smem:$0x3FBA] =	sst s10  }
0x38: {  	s10 =	sld [smem:$0x3FBB]  }
0x39: {  	_ = 	snop;
	(pc) =	sbr.ind lr, $3  }
0x3a: {  	_ = 	snop  }
0x3b: {  	_ = 	snop  }
0x3c: {  	p2 =	seq.s32 s10, $0x1;
	s10 =	sld [smem:$0x3FBA]  }
0x3d: {  	_ =	shalt  }
0x3e: {  	_ =	shalt  }
0x3f: {  	_ =	shalt  }
0x40: {  	_ =	shalt  }
0x41: {  	_ =	shalt  }
0x42: {  	_ =	shalt  }
0x43: {  	_ =	shalt  }
0x44: {  	_ =	shalt  }
0x45: {  	_ =	shalt  }
0x46: {  	_ =	shalt  }
0x47: {  	_ =	shalt  }
0x48: {  	_ =	shalt  }
0x49: {  	_ =	shalt  }
0x4a: {  	_ =	shalt  }
0x4b: {  	_ =	shalt  }
0x4c: {  	_ =	shalt  }
0x4d: {  	_ =	shalt  }
0x4e: {  	_ =	shalt  }
0x4f: {  	_ =	shalt  }
0x50: {  	_ =	shalt  }
0x51: {  	_ =	shalt  }
0x52: {  	_ =	shalt  }
0x53: {  	_ =	shalt  }
0x54: {  	_ =	shalt  }
0x55: {  	_ =	shalt  }
0x56: {  	_ =	shalt  }
0x57: {  	_ =	shalt  }
0x58: {  	_ =	shalt  }
0x59: {  	_ =	shalt  }
0x5a: {  	_ =	shalt  }
0x5b: {  	_ =	shalt  }
0x5c: {  	_ =	shalt  }
0x5d: {  	_ =	shalt  }
0x5e: {  	_ =	shalt  }
0x5f: {  	_ =	shalt  }
0x60: {  	_ =	shalt  }
0x61: {  	_ =	shalt  }
0x62: {  	_ =	shalt  }
0x63: {  	_ =	shalt  }
0x64: {  	_ =	shalt  }
0x65: {  	_ =	shalt  }
0x66: {  	_ =	shalt  }
0x67: {  	_ =	shalt  }
0x68: {  	_ =	shalt  }
0x69: {  	_ =	shalt  }
0x6a: {  	_ =	shalt  }
0x6b: {  	_ =	shalt  }
0x6c: {  	_ =	shalt  }
0x6d: {  	_ =	shalt  }
0x6e: {  	_ =	shalt  }
0x6f: {  	_ =	shalt  }
0x70: {  	_ =	shalt  }
0x71: {  	_ =	shalt  }
0x72: {  	_ =	shalt  }
0x73: {  	_ =	shalt  }
0x74: {  	_ =	shalt  }
0x75: {  	_ =	shalt  }
0x76: {  	_ =	shalt  }
0x77: {  	_ =	shalt  }
0x78: {  	_ =	shalt  }
0x79: {  	_ =	shalt  }
0x7a: {  	_ =	shalt  }
0x7b: {  	_ =	shalt  }
0x7c: {  	_ =	shalt  }
0x7d: {  	_ =	shalt  }
0x7e: {  	_ =	shalt  }
0x7f: {  	_ =	shalt  }
0x80: {  	_ =	shalt  }
0x81: {  	_ =	shalt  }
0x82: {  	_ =	shalt  }
0x83: {  	_ =	shalt  }
0x84: {  	_ =	shalt  }
0x85: {  	_ =	shalt  }
0x86: {  	_ =	shalt  }
0x87: {  	_ =	shalt  }
.Lfunc_end0:
.L_simem_size_0:
called_computation_lowered:
.L_overlay_start_0:
0x88: {  	s2 =	sld [smem:$0x3FD9]  }
0x89: {  	s3 =	sld [smem:$0x3FFE];
	_ =	sdelay $0x1  }
0x8a: {  	s1 =	srdreg.scid  }
0x8b: {  	s0 =	sand.u32 $0x1, s1  }
0x8c: {  	s17 =	sshll.u32 s0, $0xA;
	s2 =	sadd.s32 s3, s2  }
0x8d: {  	s2 =	sadd.s32 s2, s17  }
0x8e: {  	[smem:$0x3FC6] =	sst s2  }
0x8f: {  	_ = 	snop  }
0x90: {  	s2 =	sld [smem:$0x3FC9]  }
0x91: {  	s18 =	sld [smem:$0x3FD0];
	(tm) =	ssettm $0x1  }
0x92: {  	s4 =	sld [smem:$0x3FFB];
	_ =	sdelay $0x3  }
0x93: {  	_ =	strace s4  }
0x94: {  	s4 =	sld [smem:$0x3FFC];
	_ =	sdelay $0x3  }
0x95: {  	_ =	strace s4  }
0x96: {  	s4 =	sld [smem:$0x3FFD];
	_ =	sdelay $0x3  }
0x97: {  	_ =	strace s4  }
0x98: {  	_ =	strace $0x8FFFFFFF  }
0x99: {  	s19 =	sld [smem:$0x3FDB];
	_ =	sdelay $0x1  }
0x9a: {  	s5 =	simm.s32 $_scs_section_size  }
0x9b: {  	s6 =	simm.s32 $_size__tile_overlayer_lowered;
	s7 =	simm.s32 $_tile_overlayer_lowered  }
0x9c: {  	s22 =	simm.s32 $0x1BFF;
	s21 =	sshll.u32 s7, $0x1;
	s4 =	sadd.s32 s5, s19  }
0x9d: {  	s8 =	simm.s32 $0x0;
	s20 =	sshll.u32 s6, $0x1;
	s6 =	sadd.s32 s21, s4  }
0x9e: {  	[timem:s8], [sflag:s22] =	dma.local [hbm:s6], s20  }
0x9f: {  	_ =	swait.ge [sflag:s22], s20  }
0xa0: {  	s5 =	ssub.s32 $0x0, s20;
	[sflag:s22] =	ssyncset.done $0x0  }
0xa1: {  	[sflag:s22] =	ssyncadd.s32 s5;
	_ =	sdelay $0x1  }
0xa2: {  	s23 =	simm.s32 $0x1B8B  }
0xa3: {  	_ =	swait.ge [sflag:s23], $0x1  }
0xa4: {  	[sflag:s23] =	ssyncset.done $0x0  }
0xa5: {  	s25 =	simm.s32 $0x1B8E;
	s24 =	sld [smem:$0x3FFE];
	[sflag:s23] =	ssyncadd.s32 $0xFFFFFFFF  }
0xa6: {  	s26 =	simm.s32 $execute0_lowered;
	[smem:$0x3FD2] =	sst s25  }
0xa7: {  	s6 =	sshll.u32 s26, $0x1;
	_ =	strace $0x80000046;
	[dreg:$0x1] =	wrdreg $0xFFFFFFFF  }
0xa8: {  	s28 =	simm.s32 $_size_execute0_lowered;
	s4 =	sadd.s32 s4, s6;
	[dreg:$0x0] =	wrdreg $0x0  }
0xa9: {  	s6 =	sshll.u32 s28, $0x1;
	[dreg:$0x2] =	wrdreg s4  }
0xaa: {  	[dreg:$0x3] =	wrdreg s6  }
0xab: {  	[dreg:$0x4] =	wrdreg $0xC0  }
0xac: {  	_ =	task [dreg:s8], $0x5FFFF  }
0xad: {  	[dreg:$0x1] =	wrdreg $0xFFFFFFFF  }
0xae: {  	[dreg:$0x0] =	wrdreg $0x60  }
0xaf: {  	[dreg:$0x2] =	wrdreg s2  }
0xb0: {  	[dreg:$0x3] =	wrdreg s24  }
0xb1: {  	[dreg:$0x4] =	wrdreg s18  }
0xb2: {  	[dreg:$0x5] =	wrdreg $0x9  }
0xb3: {  	_ =	task.clear_ibuf [dreg:s8], $0x6FFFF;
	_ =	strace $0x90000046  }
0xb4: {  	s29 =	simm.s32 $0x9;
	_ =	strace $0x80000048  }
0xb5: {  	_ =	swait.ge [sflag:s29], $0x1  }
0xb6: {  	[sflag:s29] =	ssyncadd.s32 $0xFFFFFFFF  }
0xb7: {  	_ =	strace $0x90000048  }
0xb8: {  	_ =	sfence  }
0xb9: {  	s30 =	sld [smem:$0x0];
	_ =	sdelay $0x2  }
0xba: {  	s31 =	sshll.u32 s1, $0xD;
	s1 =	sshrl.u32 s1, $0x2  }
0xbb: {  	s3 =	sand.u32 $0x4000, s31;
	s1 =	sadd.s32 s1, s30  }
0xbc: {  	s0 =	sor.u32 s3, s0;
	s1 =	sshll.u32 s1, $0x11  }
0xbd: {  	s0 =	sor.u32 s1, s0  }
0xbe: {  	s0 =	sadd.s32 $0x8F2B, s0  }
0xbf: {  	[sflag:s0] =	ssyncadd.remote.s32 $0x1  }
0xc0: {  	_ =	sfence.sel $0xFFFF  }
0xc1: {  	[dreg:$0x0] =	wrdreg $0xFFFFFFFF;
	(pc) =	sbr.abs _section_cstart, $3  }
0xc2: {  	[dreg:$0x1] =	wrdreg $0xFFFFFFFF  }
0xc3: {  	_ =	task.clear_ibuf [dreg:s8], $0x2FFFF;
	_ =	strace $0x9FFFFFFF  }
0xc4: {  	(tm) =	ssettm $0x7FFFFFFF  }
0xc5: {  	_ =	shalt  }
tec
execute0_lowered:
.L_overlay_start_1:
0x0: {  	(tag) =	ssettag $0x1  }
0x1: {  	s1 =	rddreg [dreg:$0x0]  }
0x2: {  	s4 =	rddreg [dreg:$0x1]  }
0x3: {  	s8 =	rddreg [dreg:$0x2];
	s2 =	srdreg.scid  }
0x4: {  	s0 =	rddreg [dreg:$0x3];
	s3 =	simm.s32 $0x0;
	s11 =	simm.s32 $0x3  }
0x5: {  	s12 =	simm.s32 $0x200;
	s13 =	simm.s32 $0x400;
	s14 =	simm.s32 $0x2000  }
0x6: {  	s15 =	simm.s32 $0x1;
	s16 =	simm.s32 $0x6000;
	s17 =	simm.s32 $0xA000  }
0x7: {  	s18 =	simm.s32 $0x12000;
	s19 =	simm.s32 $0x2;
	s20 =	simm.s32 $0x0  }
0x8: {  	s5 =	sand.u32 $0x1, s2;
	[smem:$0x7FF] =	sst s3;
	s2 =	stileid.u32  }
0x9: {  	s4 =	sadd.s32 $0x600, s4;
	s6 =	ssub.s32 $0x2, s5;
	s9 =	sshll.u32 s2, $0x1  }
0xa: {  	_ =	strace $0x80000047;
	s7 =	sshrl.u32 s6, $0x1;
	s30 =	sor.u32 s5, s9  }
0xb: {  	s10 =	ssub.s32 s6, s7;
	s5 =	sshll.u32 s30, $0x4;
	s31 =	sshll.u32 s30, $0x10  }
0xc: {  	s9 =	sshll.u32 s30, $0x11;
	s7 =	sadd.s32 $0x40, s1;
	s6 =	sadd.s32 s1, s31  }
0xd: {  	s8 =	sadd.s32 s8, s9;
	s9 =	sor.u32 $0x1, s5;
	s10 =	smax.u32 s10, $0x1  }
.LBB2_1:
0xe: {  	[tilespmem:s3], [sflag:$0x3] =	stream.linear.gather [hbm4b:s4+s3], $0x2000, $0x38;
	[tilespmem:$0x1A000] =	vst v63  }
0xf: {  	_ =	swait.ge [sflag:s11], $0x2000  }
0x10: {  	[sflag:s11] =	ssyncset.done $0x0  }
0x11: {  	s21 =	simm.s32 $0x0;
	[sflag:s11] =	ssyncadd.s32 $0xFFFFE000  }
0x12: {  	[tilespmem:s14], [sflag:$0x1] =	stream.strided.gather [hbm4b:s6+s12], $0x4000, s13, s12, $0x38;
	[tilespmem:$0x1A000] =	vst v63  }
.LBB2_2:
0x13: {  	_ =	swait.ge [sflag:s15], $0x4000;
	s22 =	sadd.s32 s5, s21  }
0x14: {  	[sflag:s15] =	ssyncset.done $0x0;
	s22 =	sshll.u32 s22, $0xC  }
0x15: {  	p0 =	seq.s32 s21, $0x0;
	[sflag:s15] =	ssyncadd.s32 $0xFFFFC000;
	s22 =	sadd.s32 s22, s7  }
0x16: {  	[tilespmem:s16], [sflag:$0x1] =	stream.strided.gather [hbm4b:s22+s12], $0x4000, s13, s12, $0x38;
	[tilespmem:$0x1A000] =	vst v63  }
0x17: {  	s22 =	simm.s32 @!p0 $0x2  }
0x18: {  	_ =	swait.ge @!p0 [sflag:s22], $0x8000  }
0x19: {  	[sflag:s22] =	ssyncset.done @!p0 $0x0  }
0x1a: {  	s31 =	simm.s32 $0x40;
	[sflag:s22] =	ssyncadd.s32 @!p0 $0xFFFF8000  }
0x1b: {  	v0 =	vld [tilespmem:s31+$0x20]  }
0x1c: {  	v1 =	vld [tilespmem:s31+$0x30]  }
0x1d: {  	v3 =	vld [tilespmem:s31+$0x0]  }
0x1e: {  	v6 =	vld [tilespmem:s31+$0xFFFFFFD0];
	_ =	sdelay $0x1  }
0x1f: {  	v2 =	vld [tilespmem:s31+$0xFFFFFFC0]  }
0x20: {  	v8 =	vld [tilespmem:s31+$0xFFFFFFF0];
	v4 =	vshll.u32 v0, $0x2;
	v5 =	vshll.u32 v1, $0x2  }
0x21: {  	v0 =	vand.u32 $0x7F, v0;
	v1 =	vand.u32 $0x7F, v1;
	v7 =	vshll.u32 v3, $0x2  }
0x22: {  	v3 =	vand.u32 $0x7F, v3;
	v11 =	vshll.u32 v6, $0x2;
	v4 =	vand.u32 $0xFFFFFE00, v4  }
0x23: {  	v5 =	vand.u32 $0xFFFFFE00, v5;
	v10 =	vand.u32 $0xFFFFFE00, v7;
	v0 =	vor.u32 v0, v4  }
0x24: {  	v9 =	vld [tilespmem:s31+$0x10];
	v4 =	vshll.u32 v2, $0x2;
	v2 =	vand.u32 $0x7F, v2;
	v7 =	vor.u32 v1, v5  }
0x25: {  	v1 =	vand.u32 $0xFFFFFE00, v4;
	v4 =	vor.u32 v3, v10;
	v3 =	vshll.u32 v8, $0x2  }
0x26: {  	v5 =	vor.u32 v2, v1;
	v1 =	vand.u32 $0xFFFFFE00, v11;
	v2 =	vand.u32 $0x7F, v6  }
0x27: {  	v6 =	vand.u32 $0x7F, v8;
	v2 =	vor.u32 v2, v1;
	v1 =	vand.u32 $0xFFFFFE00, v3  }
0x28: {  	v10 =	vld [tilespmem:s31+$0xFFFFFFE0];
	v1 =	vor.u32 v6, v1  }
0x29: {  	v3 =	vshll.u32 v9, $0x2;
	v8 =	vld.idx.msk [tilespmem:v0+s14+$0x0], $0xffff  }
0x2a: {  	v11 =	vor.u32 $0x80, v0;
	v3 =	vand.u32 $0xFFFFFE00, v3;
	v6 =	vand.u32 $0x7F, v9;
	v12 =	vld.idx.msk [tilespmem:v7+s14+$0x0], $0xffff  }
0x2b: {  	v3 =	vor.u32 v6, v3;
	v13 =	vld.idx.msk [tilespmem:v4+s14+$0x0], $0xffff  }
0x2c: {  	s25 =	simm.s32 $0x0;
	v15 =	vor.u32 $0x80, v7;
	v14 =	vld.idx.msk [tilespmem:v5+s14+$0x0], $0xffff  }
0x2d: {  	s23 =	sand.u32 $0x1F80, s25;
	v16 =	vor.u32 $0x80, v4;
	v6 =	vshll.u32 v10, $0x2;
	v18 =	vld.idx.msk [tilespmem:v1+s14+$0x0], $0xffff  }
0x2e: {  	v17 =	vor.u32 $0x80, v5;
	v9 =	vand.u32 $0x7F, v10;
	v6 =	vand.u32 $0xFFFFFE00, v6;
	[tilespmem:s23+$0xA060] =	vst v8;
	v8 =	vld.idx.msk [tilespmem:v2+s14+$0x0], $0xffff  }
0x2f: {  	v6 =	vor.u32 v9, v6;
	v10 =	vld.idx.msk [tilespmem:v11+s14+$0x0], $0xffff  }
0x30: {  	v19 =	vor.u32 $0x100, v0;
	v9 =	vld.idx.msk [tilespmem:v3+s14+$0x0], $0xffff;
	[tilespmem:s23+$0xA070] =	vst v12  }
0x31: {  	[tilespmem:s23+$0xA040] =	vst v13;
	v15 =	vld.idx.msk [tilespmem:v15+s14+$0x0], $0xffff  }
0x32: {  	[tilespmem:s23+$0xA000] =	vst v14;
	v14 =	vld.idx.msk [tilespmem:v16+s14+$0x0], $0xffff  }
0x33: {  	v13 =	vld.idx.msk [tilespmem:v17+s14+$0x0], $0xffff;
	v17 =	vor.u32 $0x100, v7  }
0x34: {  	s24 =	sshll.u32 s21, $0xD;
	v16 =	vor.u32 $0x100, v4;
	v12 =	vld.idx.msk [tilespmem:v6+s14+$0x0], $0xffff;
	[tilespmem:s23+$0xC060] =	vst v10  }
0x35: {  	s26 =	simm.s32 $0x0;
	s28 =	simm.s32 $0xC0;
	s22 =	sor.u32 $0x1000, s24;
	v11 =	vor.u32 $0x80, v1;
	[tilespmem:s23+$0xA030] =	vst v18;
	v10 =	vld.idx.msk [tilespmem:v19+s14+$0x0], $0xffff  }
.LBB2_3:
0x36: {  	v18 =	vld [tilespmem:s28+$0xFFFFFFF0];
	s26 =	sadd.s32 $0x8, s26;
	s25 =	sadd.s32 $0x80, s25  }
0x37: {  	v20 =	vor.u32 $0x80, v2;
	v19 =	vld [tilespmem:s28+$0x30];
	p0 =	slt.u32 s26, $0x1F8;
	[tilespmem:s23+$0xC070] =	vst v15  }
0x38: {  	v15 =	vor.u32 $0x100, v5;
	[tilespmem:s23+$0xC040] =	vst v14;
	v14 =	vld.idx.msk [tilespmem:v17+s14+$0x0], $0xffff  }
0x39: {  	[tilespmem:s23+$0xC000] =	vst v13;
	v13 =	vld.idx.msk [tilespmem:v16+s14+$0x0], $0xffff  }
0x3a: {  	v11 =	vld.idx.msk [tilespmem:v11+s14+$0x0], $0xffff  }
0x3b: {  	v16 =	vld [tilespmem:s28+$0x0];
	[tilespmem:s23+$0xA010] =	vst v8;
	v8 =	vor.u32 $0x80, v3  }
0x3c: {  	v17 =	vld.idx.msk [tilespmem:v20+s14+$0x0], $0xffff;
	[tilespmem:s23+$0xA020] =	vst v12;
	v12 =	vor.u32 $0x80, v6  }
0x3d: {  	v7 =	vor.u32 $0x180, v7;
	v15 =	vld.idx.msk [tilespmem:v15+s14+$0x0], $0xffff;
	[tilespmem:s23+$0xA050] =	vst v9  }
0x3e: {  	v9 =	vld [tilespmem:s28+$0xFFFFFFE0];
	[tilespmem:s23+$0xE070] =	vst v14  }
0x3f: {  	v20 =	vor.u32 $0x100, v1;
	v14 =	vld [tilespmem:s28+$0x20];
	[tilespmem:s23+$0xE040] =	vst v13  }
0x40: {  	v5 =	vor.u32 $0x180, v5;
	[tilespmem:s23+$0xC030] =	vst v11;
	v8 =	vld.idx.msk [tilespmem:v8+s14+$0x0], $0xffff  }
0x41: {  	v11 =	vor.u32 $0x100, v2;
	v12 =	vld.idx.msk [tilespmem:v12+s14+$0x0], $0xffff;
	[tilespmem:s23+$0xE060] =	vst v10  }
0x42: {  	v4 =	vor.u32 $0x180, v4;
	[tilespmem:s23+$0xC010] =	vst v17;
	v7 =	vld.idx.msk [tilespmem:v7+s14+$0x0], $0xffff  }
0x43: {  	v17 =	vshll.u32 v19, $0x2;
	v10 =	vld [tilespmem:s28+$0xFFFFFFC0];
	v13 =	vshll.u32 v9, $0x2;
	[tilespmem:s23+$0xE000] =	vst v15;
	v15 =	vor.u32 $0x100, v3  }
0x44: {  	v13 =	vand.u32 $0xFFFFFE00, v13;
	v21 =	vand.u32 $0x7F, v14;
	v14 =	vshll.u32 v14, $0x2;
	v20 =	vld.idx.msk [tilespmem:v20+s14+$0x0], $0xffff  }
0x45: {  	v17 =	vand.u32 $0xFFFFFE00, v17;
	v14 =	vand.u32 $0xFFFFFE00, v14;
	v22 =	vld.idx.msk [tilespmem:v5+s14+$0x0], $0xffff;
	v5 =	vor.u32 $0x100, v6  }
0x46: {  	v14 =	vor.u32 v21, v14;
	v11 =	vld.idx.msk [tilespmem:v11+s14+$0x0], $0xffff;
	[tilespmem:s23+$0xC050] =	vst v8  }
0x47: {  	v8 =	vor.u32 $0x180, v0;
	[tilespmem:s23+$0xC020] =	vst v12;
	v4 =	vld.idx.msk [tilespmem:v4+s14+$0x0], $0xffff;
	v0 =	vmov v14  }
0x48: {  	v19 =	vand.u32 $0x7F, v19;
	v12 =	vshll.u32 v10, $0x2;
	v14 =	vld [tilespmem:s28+$0xFFFFFFD0];
	[tilespmem:s23+$0x10070] =	vst v7  }
0x49: {  	v2 =	vor.u32 $0x180, v2;
	v3 =	vor.u32 $0x180, v3;
	v21 =	vor.u32 $0x180, v1;
	v15 =	vld.idx.msk [tilespmem:v15+s14+$0x0], $0xffff  }
0x4a: {  	v1 =	vand.u32 $0x7F, v10;
	v10 =	vshll.u32 v16, $0x2;
	v7 =	vand.u32 $0xFFFFFE00, v12;
	v12 =	vld.idx.msk [tilespmem:v5+s14+$0x0], $0xffff;
	[tilespmem:s23+$0xE030] =	vst v20  }
0x4b: {  	v6 =	vor.u32 $0x180, v6;
	v10 =	vand.u32 $0xFFFFFE00, v10;
	v5 =	vor.u32 v1, v7;
	v20 =	vld [tilespmem:s28+$0x10];
	[tilespmem:s23+$0x10000] =	vst v22  }
0x4c: {  	v16 =	vand.u32 $0x7F, v16;
	v1 =	vshll.u32 v18, $0x2;
	v7 =	vor.u32 v19, v17;
	[tilespmem:s23+$0xE010] =	vst v11;
	v8 =	vld.idx.msk [tilespmem:v8+s14+$0x0], $0xffff  }
0x4d: {  	v17 =	vand.u32 $0x7F, v18;
	v1 =	vand.u32 $0xFFFFFE00, v1;
	v11 =	vshll.u32 v14, $0x2;
	v18 =	vld.idx.msk [tilespmem:v0+s14+$0x0], $0xffff;
	[tilespmem:s23+$0x10040] =	vst v4  }
0x4e: {  	v1 =	vor.u32 v17, v1;
	v4 =	vor.u32 v16, v10;
	v11 =	vand.u32 $0xFFFFFE00, v11;
	v10 =	vld.idx.msk [tilespmem:v21+s14+$0x0], $0xffff  }
0x4f: {  	v14 =	vand.u32 $0x7F, v14;
	v16 =	vld.idx.msk [tilespmem:v2+s14+$0x0], $0xffff;
	[tilespmem:s23+$0xE050] =	vst v15  }
0x50: {  	v2 =	vor.u32 v14, v11;
	v11 =	vshll.u32 v20, $0x2;
	[tilespmem:s23+$0xE020] =	vst v12;
	v12 =	vld.idx.msk [tilespmem:v3+s14+$0x0], $0xffff  }
0x51: {  	v3 =	vand.u32 $0xFFFFFE00, v11;
	v11 =	vor.u32 $0x80, v0;
	v14 =	vld.idx.msk [tilespmem:v6+s14+$0x0], $0xffff  }
0x52: {  	s29 =	sand.u32 $0x1F80, s25;
	v6 =	vand.u32 $0x7F, v20;
	v15 =	vld.idx.msk [tilespmem:v7+s14+$0x0], $0xffff;
	[tilespmem:s23+$0x10060] =	vst v8  }
0x53: {  	v3 =	vor.u32 v6, v3;
	v17 =	vld.idx.msk [tilespmem:v4+s14+$0x0], $0xffff;
	[tilespmem:s29+$0xA060] =	vst v18  }
0x54: {  	v19 =	vor.u32 $0x80, v7;
	v18 =	vld.idx.msk [tilespmem:v5+s14+$0x0], $0xffff;
	[tilespmem:s23+$0x10030] =	vst v10  }
0x55: {  	v10 =	vor.u32 $0x80, v4;
	v8 =	vld.idx.msk [tilespmem:v2+s14+$0x0], $0xffff;
	[tilespmem:s23+$0x10010] =	vst v16  }
0x56: {  	v6 =	vand.u32 $0x7F, v9;
	v16 =	vor.u32 $0x80, v5;
	v20 =	vld.idx.msk [tilespmem:v11+s14+$0x0], $0xffff;
	[tilespmem:s23+$0x10050] =	vst v12  }
0x57: {  	v6 =	vor.u32 v6, v13;
	v21 =	vld.idx.msk [tilespmem:v1+s14+$0x0], $0xffff;
	[tilespmem:s23+$0x10020] =	vst v14;
	s23 =	smov.u32 s29  }
0x58: {  	v22 =	vor.u32 $0x100, v0;
	v11 =	vor.u32 $0x80, v1;
	v9 =	vld.idx.msk [tilespmem:v3+s14+$0x0], $0xffff;
	[tilespmem:s23+$0xA070] =	vst v15  }
.Ltmp0:
0x59: {  	[tilespmem:s23+$0xA040] =	vst v17;
	v15 =	vld.idx.msk [tilespmem:v19+s14+$0x0], $0xffff;
	(pc) =	sbr.rel @p0 .LBB2_3-.Ltmp0, $4  }
0x5a: {  	[tilespmem:s23+$0xA000] =	vst v18;
	v14 =	vld.idx.msk [tilespmem:v10+s14+$0x0], $0xffff  }
0x5b: {  	v17 =	vor.u32 $0x100, v7;
	v13 =	vld.idx.msk [tilespmem:v16+s14+$0x0], $0xffff  }
0x5c: {  	v16 =	vor.u32 $0x100, v4;
	v12 =	vld.idx.msk [tilespmem:v6+s14+$0x0], $0xffff;
	[tilespmem:s23+$0xC060] =	vst v20  }
0x5d: {  	s28 =	sadd.s32 $0x80, s28;
	[tilespmem:s23+$0xA030] =	vst v21;
	v10 =	vld.idx.msk [tilespmem:v22+s14+$0x0], $0xffff  }
0x5e: {  	_ =	sdelay $0x1  }
0x5f: {  	[tilespmem:s23+$0xC070] =	vst v15;
	v15 =	vor.u32 $0x100, v5  }
0x60: {  	v18 =	vor.u32 $0x80, v2;
	[tilespmem:s23+$0xA010] =	vst v8  }
0x61: {  	v8 =	vor.u32 $0x80, v6;
	[tilespmem:s23+$0xC040] =	vst v14;
	v14 =	vld.idx.msk [tilespmem:v17+s14+$0x0], $0xffff  }
0x62: {  	[tilespmem:s23+$0xC000] =	vst v13;
	v13 =	vld.idx.msk [tilespmem:v16+s14+$0x0], $0xffff;
	v16 =	vor.u32 $0x80, v3  }
0x63: {  	v11 =	vld.idx.msk [tilespmem:v11+s14+$0x0], $0xffff;
	v7 =	vor.u32 $0x180, v7;
	[tilespmem:s23+$0xA050] =	vst v9  }
0x64: {  	[tilespmem:s23+$0xA020] =	vst v12;
	v12 =	vld.idx.msk [tilespmem:v15+s14+$0x0], $0xffff  }
0x65: {  	v9 =	vor.u32 $0x100, v1;
	[tilespmem:s23+$0xE060] =	vst v10;
	v15 =	vld.idx.msk [tilespmem:v18+s14+$0x0], $0xffff  }
0x66: {  	v4 =	vor.u32 $0x180, v4;
	v8 =	vld.idx.msk [tilespmem:v8+s14+$0x0], $0xffff;
	[tilespmem:s23+$0xE070] =	vst v14  }
0x67: {  	v14 =	vor.u32 $0x100, v2;
	[tilespmem:s23+$0xE040] =	vst v13;
	v13 =	vld.idx.msk [tilespmem:v16+s14+$0x0], $0xffff  }
0x68: {  	v10 =	vor.u32 $0x100, v6;
	[tilespmem:s23+$0xC030] =	vst v11;
	v7 =	vld.idx.msk [tilespmem:v7+s14+$0x0], $0xffff  }
0x69: {  	v11 =	vor.u32 $0x100, v3;
	[tilespmem:s23+$0xE000] =	vst v12  }
0x6a: {  	v0 =	vor.u32 $0x180, v0;
	v9 =	vld.idx.msk [tilespmem:v9+s14+$0x0], $0xffff;
	[tilespmem:s23+$0xC010] =	vst v15  }
0x6b: {  	v5 =	vor.u32 $0x180, v5;
	v4 =	vld.idx.msk [tilespmem:v4+s14+$0x0], $0xffff;
	[tilespmem:s23+$0xC020] =	vst v8  }
0x6c: {  	v1 =	vor.u32 $0x180, v1;
	v12 =	vld.idx.msk [tilespmem:v14+s14+$0x0], $0xffff;
	[tilespmem:s23+$0xC050] =	vst v13  }
0x6d: {  	v2 =	vor.u32 $0x180, v2;
	[tilespmem:s23+$0x10070] =	vst v7;
	v7 =	vld.idx.msk [tilespmem:v10+s14+$0x0], $0xffff  }
0x6e: {  	v6 =	vor.u32 $0x180, v6;
	v8 =	vld.idx.msk [tilespmem:v11+s14+$0x0], $0xffff  }
0x6f: {  	v3 =	vor.u32 $0x180, v3;
	v0 =	vld.idx.msk [tilespmem:v0+s14+$0x0], $0xffff;
	[tilespmem:s23+$0xE030] =	vst v9  }
0x70: {  	v5 =	vld.idx.msk [tilespmem:v5+s14+$0x0], $0xffff;
	[tilespmem:s23+$0x10040] =	vst v4  }
0x71: {  	v1 =	vld.idx.msk [tilespmem:v1+s14+$0x0], $0xffff;
	[tilespmem:s23+$0xE010] =	vst v12  }
0x72: {  	v2 =	vld.idx.msk [tilespmem:v2+s14+$0x0], $0xffff;
	[tilespmem:s23+$0xE020] =	vst v7  }
0x73: {  	[tilespmem:s23+$0xE050] =	vst v8;
	v4 =	vld.idx.msk [tilespmem:v6+s14+$0x0], $0xffff  }
0x74: {  	[tilespmem:s23+$0x10060] =	vst v0;
	v3 =	vld.idx.msk [tilespmem:v3+s14+$0x0], $0xffff  }
0x75: {  	[tilespmem:s23+$0x10000] =	vst v5  }
0x76: {  	[tilespmem:s23+$0x10030] =	vst v1  }
0x77: {  	[tilespmem:s23+$0x10010] =	vst v2  }
0x78: {  	p0 =	seq.s32 s21, $0xF;
	[tilespmem:s23+$0x10020] =	vst v4  }
0x79: {  	s30 =	sadd.s32 s24, s8;
	p1 =	seq.s32 @!p0 s21, $0x0;
	[tilespmem:s23+$0x10050] =	vst v3;
	s23 =	sadd.s32 @!p0 s21, s9  }
0x7a: {  	[hbm4b:s30+s3] =	stream.linear.scatter [tilespmem:s17], [sflag:$0x2], $0x8000, $0x38;
	[tilespmem:$0x1A000] =	vst v63  }
0x7b: {  	s24 =	simm.s32 @!p0 $0x200;
	s23 =	sshll.u32 @!p0 s23, $0xC;
	_ =	swait.ge [sflag:s15], $0x4000  }
0x7c: {  	s25 =	simm.s32 @!p0 $0x400;
	s23 =	sand.u32 @!p0 $0x1FFFF000, s23;
	[sflag:s15] =	ssyncset.done $0x0  }
0x7d: {  	s26 =	simm.s32 @!p0 $0x2000;
	s23 =	sadd.s32 @!p0 s1, s23;
	[sflag:s15] =	ssyncadd.s32 $0xFFFFC000  }
0x7e: {  	[tilespmem:s26], [sflag:$0x1] =	stream.strided.gather @!p0 [hbm4b:s23+s24], $0x4000, s25, s24, $0x38;
	[tilespmem:$0x1A000] =	vst v63  }
0x7f: {  	p0 =	por p0, !p1  }
0x80: {  	_ =	swait.ge @p0 [sflag:s19], $0x8000  }
0x81: {  	[sflag:s19] =	ssyncset.done @p0 $0x0  }
0x82: {  	s31 =	simm.s32 $0x40;
	[sflag:s19] =	ssyncadd.s32 @p0 $0xFFFF8000  }
0x83: {  	v0 =	vld [tilespmem:s31+$0x20]  }
0x84: {  	v1 =	vld [tilespmem:s31+$0x30]  }
0x85: {  	v3 =	vld [tilespmem:s31+$0x0]  }
0x86: {  	v6 =	vld [tilespmem:s31+$0xFFFFFFD0];
	_ =	sdelay $0x1  }
0x87: {  	v2 =	vld [tilespmem:s31+$0xFFFFFFC0]  }
0x88: {  	v8 =	vld [tilespmem:s31+$0xFFFFFFF0];
	v4 =	vshll.u32 v0, $0x2;
	v5 =	vshll.u32 v1, $0x2  }
0x89: {  	v0 =	vand.u32 $0x7F, v0;
	v1 =	vand.u32 $0x7F, v1;
	v7 =	vshll.u32 v3, $0x2  }
0x8a: {  	v3 =	vand.u32 $0x7F, v3;
	v11 =	vshll.u32 v6, $0x2;
	v4 =	vand.u32 $0xFFFFFE00, v4  }
0x8b: {  	v5 =	vand.u32 $0xFFFFFE00, v5;
	v10 =	vand.u32 $0xFFFFFE00, v7;
	v0 =	vor.u32 v0, v4  }
0x8c: {  	v9 =	vld [tilespmem:s31+$0x10];
	v4 =	vshll.u32 v2, $0x2;
	v2 =	vand.u32 $0x7F, v2;
	v7 =	vor.u32 v1, v5  }
0x8d: {  	v1 =	vand.u32 $0xFFFFFE00, v4;
	v4 =	vor.u32 v3, v10;
	v3 =	vshll.u32 v8, $0x2  }
0x8e: {  	v5 =	vor.u32 v2, v1;
	v1 =	vand.u32 $0xFFFFFE00, v11;
	v2 =	vand.u32 $0x7F, v6  }
0x8f: {  	v6 =	vand.u32 $0x7F, v8;
	v2 =	vor.u32 v2, v1;
	v1 =	vand.u32 $0xFFFFFE00, v3  }
0x90: {  	v10 =	vld [tilespmem:s31+$0xFFFFFFE0];
	v1 =	vor.u32 v6, v1  }
0x91: {  	v3 =	vshll.u32 v9, $0x2;
	v8 =	vld.idx.msk [tilespmem:v0+s16+$0x0], $0xffff  }
0x92: {  	v11 =	vor.u32 $0x80, v0;
	v3 =	vand.u32 $0xFFFFFE00, v3;
	v6 =	vand.u32 $0x7F, v9;
	v12 =	vld.idx.msk [tilespmem:v7+s16+$0x0], $0xffff  }
0x93: {  	v3 =	vor.u32 v6, v3;
	v13 =	vld.idx.msk [tilespmem:v4+s16+$0x0], $0xffff  }
0x94: {  	s24 =	simm.s32 $0x0;
	v15 =	vor.u32 $0x80, v7;
	v14 =	vld.idx.msk [tilespmem:v5+s16+$0x0], $0xffff  }
0x95: {  	s23 =	sand.u32 $0x1F80, s24;
	v16 =	vor.u32 $0x80, v4;
	v6 =	vshll.u32 v10, $0x2;
	v18 =	vld.idx.msk [tilespmem:v1+s16+$0x0], $0xffff  }
0x96: {  	v17 =	vor.u32 $0x80, v5;
	v9 =	vand.u32 $0x7F, v10;
	v6 =	vand.u32 $0xFFFFFE00, v6;
	[tilespmem:s23+$0x12060] =	vst v8;
	v8 =	vld.idx.msk [tilespmem:v2+s16+$0x0], $0xffff  }
0x97: {  	v6 =	vor.u32 v9, v6;
	v10 =	vld.idx.msk [tilespmem:v11+s16+$0x0], $0xffff  }
0x98: {  	v19 =	vor.u32 $0x100, v0;
	v9 =	vld.idx.msk [tilespmem:v3+s16+$0x0], $0xffff;
	[tilespmem:s23+$0x12070] =	vst v12  }
0x99: {  	[tilespmem:s23+$0x12040] =	vst v13;
	v15 =	vld.idx.msk [tilespmem:v15+s16+$0x0], $0xffff  }
0x9a: {  	[tilespmem:s23+$0x12000] =	vst v14;
	v14 =	vld.idx.msk [tilespmem:v16+s16+$0x0], $0xffff  }
0x9b: {  	v13 =	vld.idx.msk [tilespmem:v17+s16+$0x0], $0xffff;
	v17 =	vor.u32 $0x100, v7  }
0x9c: {  	v16 =	vor.u32 $0x100, v4;
	v12 =	vld.idx.msk [tilespmem:v6+s16+$0x0], $0xffff;
	[tilespmem:s23+$0x14060] =	vst v10  }
0x9d: {  	s25 =	simm.s32 $0x0;
	s26 =	simm.s32 $0xC0;
	v11 =	vor.u32 $0x80, v1;
	[tilespmem:s23+$0x12030] =	vst v18;
	v10 =	vld.idx.msk [tilespmem:v19+s16+$0x0], $0xffff  }
.LBB2_5:
0x9e: {  	v18 =	vld [tilespmem:s26+$0xFFFFFFF0];
	s25 =	sadd.s32 $0x8, s25;
	s24 =	sadd.s32 $0x80, s24  }
0x9f: {  	v20 =	vor.u32 $0x80, v2;
	v19 =	vld [tilespmem:s26+$0x30];
	p0 =	slt.u32 s25, $0x1F8;
	[tilespmem:s23+$0x14070] =	vst v15  }
0xa0: {  	v15 =	vor.u32 $0x100, v5;
	[tilespmem:s23+$0x14040] =	vst v14;
	v14 =	vld.idx.msk [tilespmem:v17+s16+$0x0], $0xffff  }
0xa1: {  	[tilespmem:s23+$0x14000] =	vst v13;
	v13 =	vld.idx.msk [tilespmem:v16+s16+$0x0], $0xffff  }
0xa2: {  	v11 =	vld.idx.msk [tilespmem:v11+s16+$0x0], $0xffff  }
0xa3: {  	v16 =	vld [tilespmem:s26+$0x0];
	[tilespmem:s23+$0x12010] =	vst v8;
	v8 =	vor.u32 $0x80, v3  }
0xa4: {  	v17 =	vld.idx.msk [tilespmem:v20+s16+$0x0], $0xffff;
	[tilespmem:s23+$0x12020] =	vst v12;
	v12 =	vor.u32 $0x80, v6  }
0xa5: {  	v7 =	vor.u32 $0x180, v7;
	v15 =	vld.idx.msk [tilespmem:v15+s16+$0x0], $0xffff;
	[tilespmem:s23+$0x12050] =	vst v9  }
0xa6: {  	v9 =	vld [tilespmem:s26+$0xFFFFFFE0];
	[tilespmem:s23+$0x16070] =	vst v14  }
0xa7: {  	v20 =	vor.u32 $0x100, v1;
	v14 =	vld [tilespmem:s26+$0x20];
	[tilespmem:s23+$0x16040] =	vst v13  }
0xa8: {  	v5 =	vor.u32 $0x180, v5;
	[tilespmem:s23+$0x14030] =	vst v11;
	v8 =	vld.idx.msk [tilespmem:v8+s16+$0x0], $0xffff  }
0xa9: {  	v11 =	vor.u32 $0x100, v2;
	v12 =	vld.idx.msk [tilespmem:v12+s16+$0x0], $0xffff;
	[tilespmem:s23+$0x16060] =	vst v10  }
0xaa: {  	v4 =	vor.u32 $0x180, v4;
	[tilespmem:s23+$0x14010] =	vst v17;
	v7 =	vld.idx.msk [tilespmem:v7+s16+$0x0], $0xffff  }
0xab: {  	v17 =	vshll.u32 v19, $0x2;
	v10 =	vld [tilespmem:s26+$0xFFFFFFC0];
	v13 =	vshll.u32 v9, $0x2;
	[tilespmem:s23+$0x16000] =	vst v15;
	v15 =	vor.u32 $0x100, v3  }
0xac: {  	v13 =	vand.u32 $0xFFFFFE00, v13;
	v21 =	vand.u32 $0x7F, v14;
	v14 =	vshll.u32 v14, $0x2;
	v20 =	vld.idx.msk [tilespmem:v20+s16+$0x0], $0xffff  }
0xad: {  	v17 =	vand.u32 $0xFFFFFE00, v17;
	v14 =	vand.u32 $0xFFFFFE00, v14;
	v22 =	vld.idx.msk [tilespmem:v5+s16+$0x0], $0xffff;
	v5 =	vor.u32 $0x100, v6  }
0xae: {  	v14 =	vor.u32 v21, v14;
	v11 =	vld.idx.msk [tilespmem:v11+s16+$0x0], $0xffff;
	[tilespmem:s23+$0x14050] =	vst v8  }
0xaf: {  	v8 =	vor.u32 $0x180, v0;
	[tilespmem:s23+$0x14020] =	vst v12;
	v4 =	vld.idx.msk [tilespmem:v4+s16+$0x0], $0xffff;
	v0 =	vmov v14  }
0xb0: {  	v19 =	vand.u32 $0x7F, v19;
	v12 =	vshll.u32 v10, $0x2;
	v14 =	vld [tilespmem:s26+$0xFFFFFFD0];
	[tilespmem:s23+$0x18070] =	vst v7  }
0xb1: {  	v2 =	vor.u32 $0x180, v2;
	v3 =	vor.u32 $0x180, v3;
	v21 =	vor.u32 $0x180, v1;
	v15 =	vld.idx.msk [tilespmem:v15+s16+$0x0], $0xffff  }
0xb2: {  	v1 =	vand.u32 $0x7F, v10;
	v10 =	vshll.u32 v16, $0x2;
	v7 =	vand.u32 $0xFFFFFE00, v12;
	v12 =	vld.idx.msk [tilespmem:v5+s16+$0x0], $0xffff;
	[tilespmem:s23+$0x16030] =	vst v20  }
0xb3: {  	v6 =	vor.u32 $0x180, v6;
	v10 =	vand.u32 $0xFFFFFE00, v10;
	v5 =	vor.u32 v1, v7;
	v20 =	vld [tilespmem:s26+$0x10];
	[tilespmem:s23+$0x18000] =	vst v22  }
0xb4: {  	v16 =	vand.u32 $0x7F, v16;
	v1 =	vshll.u32 v18, $0x2;
	v7 =	vor.u32 v19, v17;
	[tilespmem:s23+$0x16010] =	vst v11;
	v8 =	vld.idx.msk [tilespmem:v8+s16+$0x0], $0xffff  }
0xb5: {  	v17 =	vand.u32 $0x7F, v18;
	v1 =	vand.u32 $0xFFFFFE00, v1;
	v11 =	vshll.u32 v14, $0x2;
	v18 =	vld.idx.msk [tilespmem:v0+s16+$0x0], $0xffff;
	[tilespmem:s23+$0x18040] =	vst v4  }
0xb6: {  	v1 =	vor.u32 v17, v1;
	v4 =	vor.u32 v16, v10;
	v11 =	vand.u32 $0xFFFFFE00, v11;
	v10 =	vld.idx.msk [tilespmem:v21+s16+$0x0], $0xffff  }
0xb7: {  	v14 =	vand.u32 $0x7F, v14;
	v16 =	vld.idx.msk [tilespmem:v2+s16+$0x0], $0xffff;
	[tilespmem:s23+$0x16050] =	vst v15  }
0xb8: {  	v2 =	vor.u32 v14, v11;
	v11 =	vshll.u32 v20, $0x2;
	[tilespmem:s23+$0x16020] =	vst v12;
	v12 =	vld.idx.msk [tilespmem:v3+s16+$0x0], $0xffff  }
0xb9: {  	v3 =	vand.u32 $0xFFFFFE00, v11;
	v11 =	vor.u32 $0x80, v0;
	v14 =	vld.idx.msk [tilespmem:v6+s16+$0x0], $0xffff  }
0xba: {  	s28 =	sand.u32 $0x1F80, s24;
	v6 =	vand.u32 $0x7F, v20;
	v15 =	vld.idx.msk [tilespmem:v7+s16+$0x0], $0xffff;
	[tilespmem:s23+$0x18060] =	vst v8  }
0xbb: {  	v3 =	vor.u32 v6, v3;
	v17 =	vld.idx.msk [tilespmem:v4+s16+$0x0], $0xffff;
	[tilespmem:s28+$0x12060] =	vst v18  }
0xbc: {  	v19 =	vor.u32 $0x80, v7;
	v18 =	vld.idx.msk [tilespmem:v5+s16+$0x0], $0xffff;
	[tilespmem:s23+$0x18030] =	vst v10  }
0xbd: {  	v10 =	vor.u32 $0x80, v4;
	v8 =	vld.idx.msk [tilespmem:v2+s16+$0x0], $0xffff;
	[tilespmem:s23+$0x18010] =	vst v16  }
0xbe: {  	v6 =	vand.u32 $0x7F, v9;
	v16 =	vor.u32 $0x80, v5;
	v20 =	vld.idx.msk [tilespmem:v11+s16+$0x0], $0xffff;
	[tilespmem:s23+$0x18050] =	vst v12  }
0xbf: {  	v6 =	vor.u32 v6, v13;
	v21 =	vld.idx.msk [tilespmem:v1+s16+$0x0], $0xffff;
	[tilespmem:s23+$0x18020] =	vst v14;
	s23 =	smov.u32 s28  }
0xc0: {  	v22 =	vor.u32 $0x100, v0;
	v11 =	vor.u32 $0x80, v1;
	v9 =	vld.idx.msk [tilespmem:v3+s16+$0x0], $0xffff;
	[tilespmem:s23+$0x12070] =	vst v15  }
.Ltmp1:
0xc1: {  	[tilespmem:s23+$0x12040] =	vst v17;
	v15 =	vld.idx.msk [tilespmem:v19+s16+$0x0], $0xffff;
	(pc) =	sbr.rel @p0 .LBB2_5-.Ltmp1, $4  }
0xc2: {  	[tilespmem:s23+$0x12000] =	vst v18;
	v14 =	vld.idx.msk [tilespmem:v10+s16+$0x0], $0xffff  }
0xc3: {  	v17 =	vor.u32 $0x100, v7;
	v13 =	vld.idx.msk [tilespmem:v16+s16+$0x0], $0xffff  }
0xc4: {  	v16 =	vor.u32 $0x100, v4;
	v12 =	vld.idx.msk [tilespmem:v6+s16+$0x0], $0xffff;
	[tilespmem:s23+$0x14060] =	vst v20  }
0xc5: {  	s26 =	sadd.s32 $0x80, s26;
	[tilespmem:s23+$0x12030] =	vst v21;
	v10 =	vld.idx.msk [tilespmem:v22+s16+$0x0], $0xffff  }
0xc6: {  	_ =	sdelay $0x1  }
0xc7: {  	[tilespmem:s23+$0x14070] =	vst v15;
	v43 =	vor.u32 $0x100, v5  }
0xc8: {  	v18 =	vor.u32 $0x80, v2;
	[tilespmem:s23+$0x12010] =	vst v8  }
0xc9: {  	v46 =	vor.u32 $0x80, v3;
	v11 =	vld.idx.msk [tilespmem:v11+s16+$0x0], $0xffff;
	[tilespmem:s23+$0x12050] =	vst v9  }
0xca: {  	v47 =	vor.u32 $0x80, v6;
	[tilespmem:s23+$0x14040] =	vst v14;
	v44 =	vld.idx.msk [tilespmem:v17+s16+$0x0], $0xffff  }
0xcb: {  	v0 =	vor.u32 $0x180, v0;
	[tilespmem:s23+$0x14000] =	vst v13;
	v45 =	vld.idx.msk [tilespmem:v16+s16+$0x0], $0xffff  }
0xcc: {  	v49 =	vor.u32 $0x100, v1;
	[tilespmem:s23+$0x12020] =	vst v12;
	v48 =	vld.idx.msk [tilespmem:v43+s16+$0x0], $0xffff  }
0xcd: {  	v7 =	vor.u32 $0x180, v7;
	[tilespmem:s23+$0x16060] =	vst v10;
	v50 =	vld.idx.msk [tilespmem:v18+s16+$0x0], $0xffff  }
0xce: {  	v53 =	vor.u32 $0x100, v2;
	v52 =	vld.idx.msk [tilespmem:v46+s16+$0x0], $0xffff;
	[tilespmem:s23+$0x14030] =	vst v11  }
0xcf: {  	v54 =	vor.u32 $0x100, v3;
	v8 =	vld.idx.msk [tilespmem:v47+s16+$0x0], $0xffff;
	[tilespmem:s23+$0x16070] =	vst v44  }
0xd0: {  	v55 =	vor.u32 $0x100, v6;
	v0 =	vld.idx.msk [tilespmem:v0+s16+$0x0], $0xffff;
	[tilespmem:s23+$0x16040] =	vst v45  }
0xd1: {  	v4 =	vor.u32 $0x180, v4;
	v9 =	vld.idx.msk [tilespmem:v49+s16+$0x0], $0xffff;
	[tilespmem:s23+$0x16000] =	vst v48  }
0xd2: {  	v51 =	vor.u32 $0x180, v5;
	v7 =	vld.idx.msk [tilespmem:v7+s16+$0x0], $0xffff;
	[tilespmem:s23+$0x14010] =	vst v50  }
0xd3: {  	v57 =	vor.u32 $0x180, v1;
	[tilespmem:s23+$0x14050] =	vst v52;
	v56 =	vld.idx.msk [tilespmem:v53+s16+$0x0], $0xffff  }
0xd4: {  	v58 =	vor.u32 $0x180, v2;
	[tilespmem:s23+$0x14020] =	vst v8;
	v59 =	vld.idx.msk [tilespmem:v54+s16+$0x0], $0xffff  }
0xd5: {  	v60 =	vor.u32 $0x180, v3;
	[tilespmem:s23+$0x18060] =	vst v0;
	v61 =	vld.idx.msk [tilespmem:v55+s16+$0x0], $0xffff  }
0xd6: {  	v62 =	vor.u32 $0x180, v6;
	v4 =	vld.idx.msk [tilespmem:v4+s16+$0x0], $0xffff;
	[tilespmem:s23+$0x16030] =	vst v9  }
0xd7: {  	v5 =	vld.idx.msk [tilespmem:v51+s16+$0x0], $0xffff;
	[tilespmem:s23+$0x18070] =	vst v7  }
0xd8: {  	v1 =	vld.idx.msk [tilespmem:v57+s16+$0x0], $0xffff;
	[tilespmem:s23+$0x16010] =	vst v56  }
0xd9: {  	[tilespmem:s23+$0x16050] =	vst v59;
	v2 =	vld.idx.msk [tilespmem:v58+s16+$0x0], $0xffff  }
0xda: {  	[tilespmem:s23+$0x16020] =	vst v61;
	v3 =	vld.idx.msk [tilespmem:v60+s16+$0x0], $0xffff  }
0xdb: {  	s21 =	sadd.s32 $0x1, s21;
	[tilespmem:s23+$0x18040] =	vst v4;
	v63 =	vld.idx.msk [tilespmem:v62+s16+$0x0], $0xffff  }
0xdc: {  	p0 =	sne.s32 s21, $0x10;
	[tilespmem:s23+$0x18000] =	vst v5  }
.Ltmp2:
0xdd: {  	[tilespmem:s23+$0x18030] =	vst v1;
	(pc) =	sbr.rel @p0 .LBB2_2-.Ltmp2, $4  }
0xde: {  	[tilespmem:s23+$0x18010] =	vst v2  }
0xdf: {  	[tilespmem:s23+$0x18050] =	vst v3  }
0xe0: {  	s22 =	sadd.s32 s22, s8;
	[tilespmem:s23+$0x18020] =	vst v63  }
0xe1: {  	[hbm4b:s22+s3] =	stream.linear.scatter [tilespmem:s18], [sflag:$0x2], $0x8000, $0x38;
	[tilespmem:$0x1A000] =	vst v63  }
0xe2: {  	s20 =	sadd.s32 $0x1, s20  }
0xe3: {  	_ =	swait.ge [sflag:s19], $0x8000;
	p0 =	sne.s32 s20, s10  }
.Ltmp3:
0xe4: {  	[sflag:s19] =	ssyncset.done $0x0;
	(pc) =	sbr.rel @p0 .LBB2_1-.Ltmp3, $4  }
0xe5: {  	[sflag:s19] =	ssyncadd.s32 $0xFFFF8000  }
0xe6: {  	_ =	swait.ge [sflag:s19], $0x8000  }
0xe7: {  	[sflag:s19] =	ssyncset.done $0x0  }
0xe8: {  	[sflag:s19] =	ssyncadd.s32 $0xFFFF8000  }
0xe9: {  	_ =	sfence.sel $0x180000  }
0xea: {  	[bflag:$0x0] =	sbarrier.arrive $0xFFFF  }
0xeb: {  	p0 =	sne.s32 s2, $0x0;
	_ =	strace $0x90000047  }
0xec: {  	s0 =	sadd.s32 @!p0 $0x100000, s0;
	[bflag:$0x2] =	sbarrier.arrive $0xFFFF  }
0xed: {  	[sflag:s0] =	ssyncadd.tile.s32 @!p0 $0x1;
	_ =	shalt  }
.Lfunc_end2:
_tile_overlayer_lowered:
.L_overlay_start_2:
0xee: {  	(tag) =	ssettag $0x2  }
0xef: {  	s0 =	rddreg [dreg:$0x0];
	s2 =	stileid.u32  }
0xf0: {  	s1 =	rddreg [dreg:$0x1];
	p0 =	sne.s32 s2, $0x0  }
0xf1: {  	s3 =	rddreg [dreg:$0x2];
	[bflag:$0x3] =	sbarrier.arrive $0xFFFF;
	s2 =	simm.s32 @!p0 $0x1C03  }
0xf2: {  	[timem:s3], [sflag:s2] =	dma.local @!p0 [hbm:s0], s1  }
0xf3: {  	s0 =	simm.s32 @!p0 $0x3  }
0xf4: {  	_ =	swait.ge @!p0 [sflag:s0], s1  }
0xf5: {  	s1 =	ssub.s32 @!p0 $0x0, s1;
	[sflag:s0] =	ssyncset.done @!p0 $0x0  }
0xf6: {  	[sflag:s0] =	ssyncadd.s32 @!p0 s1  }
0xf7: {  	[bflag:$0x3] =	sbarrier.arrive $0xFFFF  }
0xf8: {  	_ =	shalt  }

</sc_bundles>
